<compile_context>
chip_gen: v7x
topology: tpu7x:2x2x1
jax: 0.10.2.dev20260603
libtpu: 0.0.44.dev20260713+nightly
codegen_flags: <defaults>
</compile_context>

<pallas_src>
import jax
import jax.numpy as jnp
from jax import lax
from jax.experimental import pallas as pl
from jax.experimental.pallas import tpu as pltpu
from jax.experimental.pallas import tpu_sc as plsc
import functools

LANES = 128
NC = 2
NS = 16
NW = NC * NS


def _sc_aggregate(x, src3, dst3, zrows, zdeg, n_pad, n_chunks):
    d = x.shape[1]
    rows_per_tile = n_pad // NS
    mesh = plsc.VectorSubcoreMesh(core_axis_name="c", subcore_axis_name="s")

    @functools.partial(
        pl.kernel,
        out_type=(
            jax.ShapeDtypeStruct((NC, n_pad, d), jnp.float32),
            jax.ShapeDtypeStruct((n_pad,), jnp.float32),
            jax.ShapeDtypeStruct((n_pad,), jnp.float32),
        ),
        mesh=mesh,
    scratch_types=[
            pltpu.VMEM((2, LANES), jnp.int32),
            pltpu.VMEM((n_chunks, LANES), jnp.int32),
            pltpu.VMEM((LANES, d), jnp.float32),
            pltpu.VMEM((LANES, d), jnp.float32),
            pltpu.VMEM((LANES,), jnp.float32),
            pltpu.SemaphoreType.DMA,
            pltpu.SemaphoreType.DMA,
            pltpu.SemaphoreType.DMA,
            pltpu.SemaphoreType.DMA,
            pltpu.SemaphoreType.DMA,
            pltpu.SemaphoreType.DMA,
            pltpu.VMEM_SHARED((n_pad, d), jnp.float32),
            pltpu.VMEM_SHARED((n_pad,), jnp.float32),
        ],
    )
    def agg_kernel(x_hbm, src_hbm, dst_hbm, zrows_hbm, zdeg_hbm,
                   aggp_hbm, deg0_hbm, deg1_hbm,
                   src_c, dst_v, rows_a, rows_b, ones_v, sem_a, sem_b,
                   isem, rsem_a, rsem_b, dsem, agg_sh, deg_sh):
        cid = lax.axis_index("c")
        sid = lax.axis_index("s")
        wid = cid * NS + sid
        base = sid * rows_per_tile

        pltpu.sync_copy(zrows_hbm, agg_sh.at[pl.ds(base, rows_per_tile)])
        pltpu.sync_copy(zdeg_hbm, deg_sh.at[pl.ds(base, rows_per_tile)])

        pltpu.sync_copy(dst_hbm.at[wid], dst_v)

        for j in range(LANES // 16):
            ones_v[pl.ds(j * 16, 16)] = jnp.ones((16,), jnp.float32)

        plsc.subcore_barrier()

        bufs = (rows_a, rows_b)
        gsems = (sem_a, sem_b)
        rsems = (rsem_a, rsem_b)
        pltpu.sync_copy(src_hbm.at[wid, 0], src_c.at[0])
        if n_chunks > 1:
            pltpu.async_copy(src_hbm.at[wid, 1], src_c.at[1], isem)

        quarter = LANES // 4

        def sub_gather(o, slot, buf, gsem):
            pltpu.async_copy(x_hbm.at[src_c.at[slot, pl.ds(o, quarter)]],
                             buf.at[pl.ds(o, quarter)], gsem)

        def sub_wait(o, slot, buf, gsem):
            pltpu.make_async_copy(
                x_hbm.at[src_c.at[slot, pl.ds(o, quarter)]],
                buf.at[pl.ds(o, quarter)], gsem).wait()

        for o in range(0, LANES, quarter):
            sub_gather(o, 0, rows_a, sem_a)

        def step(j, p, first=False):
            buf, nbuf = bufs[p], bufs[1 - p]

            @pl.when(j + 1 < n_chunks)
            def _():
                if not first:
                    pltpu.make_async_copy(
                        nbuf, agg_sh.at[dst_v.at[0]], rsems[1 - p]).wait()
                pltpu.make_async_copy(
                    src_hbm.at[wid, 0], src_c.at[1 - p], isem).wait()

            for o in range(0, LANES, LANES // 4):
                sub_wait(o, p, buf, gsems[p])

                @pl.when(j + 1 < n_chunks)
                def _():
                    sub_gather(o, 1 - p, nbuf, gsems[1 - p])

            @pl.when(j + 2 < n_chunks)
            def _():
                pltpu.async_copy(src_hbm.at[wid, j + 2], src_c.at[p], isem)

            pltpu.async_copy(buf, agg_sh.at[dst_v.at[j]], rsems[p],
                             add=True)
            pltpu.async_copy(ones_v, deg_sh.at[dst_v.at[j]], dsem,
                             add=True)

        step(0, 0, first=True)

        def pair(jj, carry):
            step(jj * 2 + 1, 1)
            step(jj * 2 + 2, 0)
            return carry

        lax.fori_loop(0, (n_chunks - 1) // 2, pair, 0)
        for j in range(n_chunks - 1 - 2 * ((n_chunks - 1) // 2), 0, -1):
            step(n_chunks - j, (n_chunks - j) % 2)

        for p in (0, 1):
            if n_chunks > p:
                pltpu.make_async_copy(
                    bufs[p], agg_sh.at[dst_v.at[0]], rsems[p]).wait()

        def drain(j, carry):
            pltpu.make_async_copy(ones_v, deg_sh.at[dst_v.at[0]],
                                  dsem).wait()
            return carry

        lax.fori_loop(0, n_chunks, drain, 0)

        plsc.subcore_barrier()

        pltpu.sync_copy(agg_sh.at[pl.ds(base, rows_per_tile)],
                        aggp_hbm.at[cid, pl.ds(base, rows_per_tile)])

        @pl.when(cid == 0)
        def _():
            pltpu.sync_copy(deg_sh.at[pl.ds(base, rows_per_tile)],
                            deg0_hbm.at[pl.ds(base, rows_per_tile)])

        @pl.when(cid == 1)
        def _():
            pltpu.sync_copy(deg_sh.at[pl.ds(base, rows_per_tile)],
                            deg1_hbm.at[pl.ds(base, rows_per_tile)])

    return agg_kernel(x, src3, dst3, zrows, zdeg)


def _tc_finalize(agg_part, deg0c, deg1c, x, w1t, w2t, b2):
    n, d = x.shape
    blk = 1000
    grid = n // blk

    def body(a0, a1, d0, d1, xr, w1, w2, br, o):
        deg = jnp.maximum(d0[...] + d1[...], 1.0)
        agg = (a0[0] + a1[0]) / deg
        acc = jnp.dot(agg, w1[...], preferred_element_type=jnp.float32)
        acc = acc + jnp.dot(xr[...], w2[...],
                            preferred_element_type=jnp.float32)
        o[...] = acc + br[...]

    return pl.pallas_call(
        body,
        grid=(grid,),
        in_specs=[
            pl.BlockSpec((1, blk, d), lambda i: (0, i, 0)),
            pl.BlockSpec((1, blk, d), lambda i: (1, i, 0)),
            pl.BlockSpec((blk, 1), lambda i: (i, 0)),
            pl.BlockSpec((blk, 1), lambda i: (i, 0)),
            pl.BlockSpec((blk, d), lambda i: (i, 0)),
            pl.BlockSpec((d, d), lambda i: (0, 0)),
            pl.BlockSpec((d, d), lambda i: (0, 0)),
            pl.BlockSpec((1, d), lambda i: (0, 0)),
        ],
        out_specs=pl.BlockSpec((blk, d), lambda i: (i, 0)),
        out_shape=jax.ShapeDtypeStruct((n, d), jnp.float32),
    )(agg_part, agg_part, deg0c, deg1c, x, w1t, w2t, b2)


def kernel(x, edge_index, num_nodes, W, b):
    n, d = x.shape
    e = edge_index.shape[1]

    n_chunks = -(-e // (NW * LANES))
    e_pad = NW * n_chunks * LANES
    pad = e_pad - e
    src = edge_index[0]
    dst = edge_index[1]
    if pad:
        src = jnp.concatenate([src, jnp.zeros((pad,), jnp.int32)])
        dst = jnp.concatenate([dst, jnp.full((pad,), n, jnp.int32)])
    src3 = src.reshape(NW, n_chunks, LANES)
    dst3 = dst.reshape(NW, n_chunks, LANES)

    rows_per_tile = -(-(n + 1) // (NS * LANES)) * LANES
    n_pad = rows_per_tile * NS

    zrows = jnp.zeros((rows_per_tile, d), jnp.float32)
    zdeg = jnp.zeros((rows_per_tile,), jnp.float32)

    agg_part, deg0, deg1 = _sc_aggregate(x, src3, dst3, zrows, zdeg,
                                         n_pad, n_chunks)

    w1t = W[:, :d].T
    w2t = W[:, d:].T
    b2 = b.reshape(1, d)
    return _tc_finalize(agg_part, deg0.reshape(n_pad, 1),
                        deg1.reshape(n_pad, 1), x, w1t, w2t, b2)

# --- scband reference (transcript-rebuilt; emitter-appended) ---
"""Pipeline reference for scband-sageconv-cu-graph-13048110645894 (READ-ONLY COPY).

The authoritative reference and input builder live on the scoring server;
editing this copy changes nothing except your own understanding.
"""

import jax, jax.numpy as jnp
import numpy as np

N = 10000
E = 320000
D_IN = 128
D_OUT = 128


def setup_inputs(seed: int = 0) -> dict:
    key = jax.random.key(seed)
    k1, k2, k3 = jax.random.split(key, 3)
    x = jax.random.normal(k1, (N, D_IN), dtype=jnp.float32)
    edge_index = jax.random.randint(k2, (2, E), 0, N, dtype=jnp.int32)
    # Linear(2*in_channels -> out_channels) parameters (root_weight=True => concat)
    W = jax.random.normal(k3, (D_OUT, 2 * D_IN), dtype=jnp.float32) * (1.0 / np.sqrt(2 * D_IN))
    b = jnp.zeros((D_OUT,), dtype=jnp.float32)
    return {"x": x, "edge_index": edge_index, "num_nodes": N, "W": W, "b": b}


def reference(x, edge_index, num_nodes, W, b):
    # CSC aggregation over destination nodes (edge_index[0]=src/row, edge_index[1]=dst/col)
    num_segments = x.shape[0]
    src = edge_index[0]
    dst = edge_index[1]
    msg = jnp.take(x, src, axis=0)                                   # gather: [E, D_IN]
    agg = jax.ops.segment_sum(msg, dst, num_segments=num_segments)   # scatter-add: [N, D_IN]
    ones = jnp.ones((msg.shape[0],), dtype=x.dtype)
    deg = jax.ops.segment_sum(ones, dst, num_segments=num_segments)  # in-degree per dst
    agg = agg / jnp.maximum(deg, 1.0)[:, None]                       # mean aggregation (0 for isolated)
    # cugraph SAGEConvAgg concatenates [agg_neighbors, x_self]
    h = jnp.concatenate([agg, x], axis=1)                            # [N, 2*D_IN]
    out = h @ W.T + b                                                # root_weight linear
    out = out + jnp.zeros((), dtype=out.dtype) * jnp.asarray(num_nodes, dtype=out.dtype)
    return out

if __name__ == "__main__":
    import jax
    _d = setup_inputs()
    print(jax.jit(kernel)(*tuple(_d.values())))

</pallas_src>

<mosaic_0001>
#map = affine_map<(d0, d1) -> (0, 0)>
#map1 = affine_map<(d0, d1) -> (0, 0, 0)>
#map2 = affine_map<(d0, d1) -> (0)>
module attributes {stable_mosaic.version = 14 : i64} {
  func.func @agg_kernel(%arg0: i32, %arg1: i32, %arg2: memref<10000x128xf32, #tpu.memory_space<hbm>>, %arg3: memref<32x79x128xi32, #tpu.memory_space<hbm>>, %arg4: memref<32x79x128xi32, #tpu.memory_space<hbm>>, %arg5: memref<640x128xf32, #tpu.memory_space<hbm>>, %arg6: memref<640xf32, #tpu.memory_space<hbm>>, %arg7: memref<2x10240x128xf32, #tpu.memory_space<hbm>>, %arg8: memref<10240xf32, #tpu.memory_space<hbm>>, %arg9: memref<10240xf32, #tpu.memory_space<hbm>>, %arg10: memref<2x128xi32, #tpu.memory_space<vmem>>, %arg11: memref<79x128xi32, #tpu.memory_space<vmem>>, %arg12: memref<128x128xf32, #tpu.memory_space<vmem>>, %arg13: memref<128x128xf32, #tpu.memory_space<vmem>>, %arg14: memref<128xf32, #tpu.memory_space<vmem>>, %arg15: memref<!tpu.dma_semaphore, #tpu.memory_space<semaphore_mem>>, %arg16: memref<!tpu.dma_semaphore, #tpu.memory_space<semaphore_mem>>, %arg17: memref<!tpu.dma_semaphore, #tpu.memory_space<semaphore_mem>>, %arg18: memref<!tpu.dma_semaphore, #tpu.memory_space<semaphore_mem>>, %arg19: memref<!tpu.dma_semaphore, #tpu.memory_space<semaphore_mem>>, %arg20: memref<!tpu.dma_semaphore, #tpu.memory_space<semaphore_mem>>, %arg21: memref<10240x128xf32, #tpu.memory_space<vmem_shared>>, %arg22: memref<10240xf32, #tpu.memory_space<vmem_shared>>) attributes {dimension_semantics = [#tpu.dimension_semantics<core_parallel>, #tpu.dimension_semantics<subcore_parallel>], iteration_bounds = array<i64: 2, 16>, scalar_prefetch = 0 : i64, scratch_operands = 13 : i64, tpu.core_type = #tpu.core_type<sc_vector_subcore>, window_params = [{transform_indices = #map}, {transform_indices = #map1}, {transform_indices = #map1}, {transform_indices = #map}, {transform_indices = #map2}, {transform_indices = #map1}, {transform_indices = #map2}, {transform_indices = #map2}]} {
    %mul3A = arith.constant 16 : i32
    %mul3A_0 = arith.muli %arg0, %mul3A : i32
    %add3A = arith.addi %mul3A_0, %arg1 : i32
    %mul3A_1 = arith.constant 640 : i32
    %mul3A_2 = arith.muli %arg1, %mul3A_1 : i32
    "tpu.region"() ({
      %run_scoped3A_256 = tpu.sem_alloc : memref<!tpu.dma_semaphore, #tpu.memory_space<semaphore_mem>>
      %dma_start3A_257 = arith.constant 0 : i32
      %dma_start3A_258 = tpu.memref_slice %arg21[%mul3A_2, %dma_start3A_257] : memref<10240x128xf32, #tpu.memory_space<vmem_shared>> -> memref<640x128xf32, #tpu.memory_space<vmem_shared>>
      tpu.enqueue_dma source(%arg5 : memref<640x128xf32, #tpu.memory_space<hbm>>) target(%dma_start3A_258 : memref<640x128xf32, #tpu.memory_space<vmem_shared>>) target_semaphore(%run_scoped3A_256 : memref<!tpu.dma_semaphore, #tpu.memory_space<semaphore_mem>>)
      %dma_wait3A_259 = arith.constant 0 : i32
      %dma_wait3A_260 = tpu.memref_slice %arg21[%mul3A_2, %dma_wait3A_259] : memref<10240x128xf32, #tpu.memory_space<vmem_shared>> -> memref<640x128xf32, #tpu.memory_space<vmem_shared>>
      tpu.wait_dma2 semaphore(%run_scoped3A_256 : memref<!tpu.dma_semaphore, #tpu.memory_space<semaphore_mem>>) src(%arg5 : memref<640x128xf32, #tpu.memory_space<hbm>>) dst(%dma_wait3A_260 : memref<640x128xf32, #tpu.memory_space<vmem_shared>>)
      tpu.yield
    }) : () -> ()
    "tpu.region"() ({
      %run_scoped3A_256 = tpu.sem_alloc : memref<!tpu.dma_semaphore, #tpu.memory_space<semaphore_mem>>
      %dma_start3A_257 = tpu.memref_slice %arg22[%mul3A_2] : memref<10240xf32, #tpu.memory_space<vmem_shared>> -> memref<640xf32, #tpu.memory_space<vmem_shared>>
      tpu.enqueue_dma source(%arg6 : memref<640xf32, #tpu.memory_space<hbm>>) target(%dma_start3A_257 : memref<640xf32, #tpu.memory_space<vmem_shared>>) target_semaphore(%run_scoped3A_256 : memref<!tpu.dma_semaphore, #tpu.memory_space<semaphore_mem>>)
      %dma_wait3A_258 = tpu.memref_slice %arg22[%mul3A_2] : memref<10240xf32, #tpu.memory_space<vmem_shared>> -> memref<640xf32, #tpu.memory_space<vmem_shared>>
      tpu.wait_dma2 semaphore(%run_scoped3A_256 : memref<!tpu.dma_semaphore, #tpu.memory_space<semaphore_mem>>) src(%arg6 : memref<640xf32, #tpu.memory_space<hbm>>) dst(%dma_wait3A_258 : memref<640xf32, #tpu.memory_space<vmem_shared>>)
      tpu.yield
    }) : () -> ()
    "tpu.region"() ({
      %run_scoped3A_256 = tpu.sem_alloc : memref<!tpu.dma_semaphore, #tpu.memory_space<semaphore_mem>>
      %dma_start3A_257 = arith.constant 0 : i32
      %dma_start3A_258 = arith.constant 0 : i32
      %dma_start3A_259 = tpu.memref_slice %arg4[%add3A, %dma_start3A_257, %dma_start3A_258] : memref<32x79x128xi32, #tpu.memory_space<hbm>> -> memref<1x79x128xi32, #tpu.memory_space<hbm>>
      %dma_start3A_260 = tpu.memref_squeeze %dma_start3A_259 : memref<1x79x128xi32, #tpu.memory_space<hbm>> -> memref<79x128xi32, #tpu.memory_space<hbm>>
      %dma_start3A_261 = arith.constant 0 : i32
      %dma_start3A_262 = arith.constant 0 : i32
      %dma_start3A_263 = tpu.memref_slice %arg4[%add3A, %dma_start3A_261, %dma_start3A_262] : memref<32x79x128xi32, #tpu.memory_space<hbm>> -> memref<1x79x128xi32, #tpu.memory_space<hbm>>
      %dma_start3A_264 = tpu.memref_squeeze %dma_start3A_263 : memref<1x79x128xi32, #tpu.memory_space<hbm>> -> memref<79x128xi32, #tpu.memory_space<hbm>>
      tpu.enqueue_dma source(%dma_start3A_264 : memref<79x128xi32, #tpu.memory_space<hbm>>) target(%arg11 : memref<79x128xi32, #tpu.memory_space<vmem>>) target_semaphore(%run_scoped3A_256 : memref<!tpu.dma_semaphore, #tpu.memory_space<semaphore_mem>>)
      %dma_wait3A_265 = arith.constant 0 : i32
      %dma_wait3A_266 = arith.constant 0 : i32
      %dma_wait3A_267 = tpu.memref_slice %arg4[%add3A, %dma_wait3A_265, %dma_wait3A_266] : memref<32x79x128xi32, #tpu.memory_space<hbm>> -> memref<1x79x128xi32, #tpu.memory_space<hbm>>
      %dma_wait3A_268 = tpu.memref_squeeze %dma_wait3A_267 : memref<1x79x128xi32, #tpu.memory_space<hbm>> -> memref<79x128xi32, #tpu.memory_space<hbm>>
      %dma_wait3A_269 = arith.constant 0 : i32
      %dma_wait3A_270 = arith.constant 0 : i32
      %dma_wait3A_271 = tpu.memref_slice %arg4[%add3A, %dma_wait3A_269, %dma_wait3A_270] : memref<32x79x128xi32, #tpu.memory_space<hbm>> -> memref<1x79x128xi32, #tpu.memory_space<hbm>>
      %dma_wait3A_272 = tpu.memref_squeeze %dma_wait3A_271 : memref<1x79x128xi32, #tpu.memory_space<hbm>> -> memref<79x128xi32, #tpu.memory_space<hbm>>
      tpu.wait_dma2 semaphore(%run_scoped3A_256 : memref<!tpu.dma_semaphore, #tpu.memory_space<semaphore_mem>>) src(%dma_wait3A_272 : memref<79x128xi32, #tpu.memory_space<hbm>>) dst(%arg11 : memref<79x128xi32, #tpu.memory_space<vmem>>)
      tpu.yield
    }) : () -> ()
    %broadcast_in_dim3A = arith.constant 1.000000e+00 : f32
    %broadcast_in_dim3A_3 = vector.broadcast %broadcast_in_dim3A : f32 to vector<16xf32>
    %swap3A = arith.constant 0 : index
    %swap3A_4 = tpu.vector_load %arg14[%swap3A] {strides = array<i32>} : memref<128xf32, #tpu.memory_space<vmem>>, vector<16xf32>,
    %swap3A_5 = vector.shape_cast %swap3A_4 : vector<16xf32> to vector<16xf32>
    %swap3A_6 = vector.shape_cast %broadcast_in_dim3A_3 : vector<16xf32> to vector<16xf32>
    tpu.vector_store %arg14[%swap3A], %swap3A_6 {strides = array<i32>} : memref<128xf32, #tpu.memory_space<vmem>>, vector<16xf32>,
    %broadcast_in_dim3A_7 = arith.constant 1.000000e+00 : f32
    %broadcast_in_dim3A_8 = vector.broadcast %broadcast_in_dim3A_7 : f32 to vector<16xf32>
    %swap3A_9 = arith.constant 16 : index
    %swap3A_10 = tpu.vector_load %arg14[%swap3A_9] {strides = array<i32>} : memref<128xf32, #tpu.memory_space<vmem>>, vector<16xf32>,
    %swap3A_11 = vector.shape_cast %swap3A_10 : vector<16xf32> to vector<16xf32>
    %swap3A_12 = vector.shape_cast %broadcast_in_dim3A_8 : vector<16xf32> to vector<16xf32>
    tpu.vector_store %arg14[%swap3A_9], %swap3A_12 {strides = array<i32>} : memref<128xf32, #tpu.memory_space<vmem>>, vector<16xf32>,
    %broadcast_in_dim3A_13 = arith.constant 1.000000e+00 : f32
    %broadcast_in_dim3A_14 = vector.broadcast %broadcast_in_dim3A_13 : f32 to vector<16xf32>
    %swap3A_15 = arith.constant 32 : index
    %swap3A_16 = tpu.vector_load %arg14[%swap3A_15] {strides = array<i32>} : memref<128xf32, #tpu.memory_space<vmem>>, vector<16xf32>,
    %swap3A_17 = vector.shape_cast %swap3A_16 : vector<16xf32> to vector<16xf32>
    %swap3A_18 = vector.shape_cast %broadcast_in_dim3A_14 : vector<16xf32> to vector<16xf32>
    tpu.vector_store %arg14[%swap3A_15], %swap3A_18 {strides = array<i32>} : memref<128xf32, #tpu.memory_space<vmem>>, vector<16xf32>,
    %broadcast_in_dim3A_19 = arith.constant 1.000000e+00 : f32
    %broadcast_in_dim3A_20 = vector.broadcast %broadcast_in_dim3A_19 : f32 to vector<16xf32>
    %swap3A_21 = arith.constant 48 : index
    %swap3A_22 = tpu.vector_load %arg14[%swap3A_21] {strides = array<i32>} : memref<128xf32, #tpu.memory_space<vmem>>, vector<16xf32>,
    %swap3A_23 = vector.shape_cast %swap3A_22 : vector<16xf32> to vector<16xf32>
    %swap3A_24 = vector.shape_cast %broadcast_in_dim3A_20 : vector<16xf32> to vector<16xf32>
    tpu.vector_store %arg14[%swap3A_21], %swap3A_24 {strides = array<i32>} : memref<128xf32, #tpu.memory_space<vmem>>, vector<16xf32>,
    %broadcast_in_dim3A_25 = arith.constant 1.000000e+00 : f32
    %broadcast_in_dim3A_26 = vector.broadcast %broadcast_in_dim3A_25 : f32 to vector<16xf32>
    %swap3A_27 = arith.constant 64 : index
    %swap3A_28 = tpu.vector_load %arg14[%swap3A_27] {strides = array<i32>} : memref<128xf32, #tpu.memory_space<vmem>>, vector<16xf32>,
    %swap3A_29 = vector.shape_cast %swap3A_28 : vector<16xf32> to vector<16xf32>
    %swap3A_30 = vector.shape_cast %broadcast_in_dim3A_26 : vector<16xf32> to vector<16xf32>
    tpu.vector_store %arg14[%swap3A_27], %swap3A_30 {strides = array<i32>} : memref<128xf32, #tpu.memory_space<vmem>>, vector<16xf32>,
    %broadcast_in_dim3A_31 = arith.constant 1.000000e+00 : f32
    %broadcast_in_dim3A_32 = vector.broadcast %broadcast_in_dim3A_31 : f32 to vector<16xf32>
    %swap3A_33 = arith.constant 80 : index
    %swap3A_34 = tpu.vector_load %arg14[%swap3A_33] {strides = array<i32>} : memref<128xf32, #tpu.memory_space<vmem>>, vector<16xf32>,
    %swap3A_35 = vector.shape_cast %swap3A_34 : vector<16xf32> to vector<16xf32>
    %swap3A_36 = vector.shape_cast %broadcast_in_dim3A_32 : vector<16xf32> to vector<16xf32>
    tpu.vector_store %arg14[%swap3A_33], %swap3A_36 {strides = array<i32>} : memref<128xf32, #tpu.memory_space<vmem>>, vector<16xf32>,
    %broadcast_in_dim3A_37 = arith.constant 1.000000e+00 : f32
    %broadcast_in_dim3A_38 = vector.broadcast %broadcast_in_dim3A_37 : f32 to vector<16xf32>
    %swap3A_39 = arith.constant 96 : index
    %swap3A_40 = tpu.vector_load %arg14[%swap3A_39] {strides = array<i32>} : memref<128xf32, #tpu.memory_space<vmem>>, vector<16xf32>,
    %swap3A_41 = vector.shape_cast %swap3A_40 : vector<16xf32> to vector<16xf32>
    %swap3A_42 = vector.shape_cast %broadcast_in_dim3A_38 : vector<16xf32> to vector<16xf32>
    tpu.vector_store %arg14[%swap3A_39], %swap3A_42 {strides = array<i32>} : memref<128xf32, #tpu.memory_space<vmem>>, vector<16xf32>,
    %broadcast_in_dim3A_43 = arith.constant 1.000000e+00 : f32
    %broadcast_in_dim3A_44 = vector.broadcast %broadcast_in_dim3A_43 : f32 to vector<16xf32>
    %swap3A_45 = arith.constant 112 : index
    %swap3A_46 = tpu.vector_load %arg14[%swap3A_45] {strides = array<i32>} : memref<128xf32, #tpu.memory_space<vmem>>, vector<16xf32>,
    %swap3A_47 = vector.shape_cast %swap3A_46 : vector<16xf32> to vector<16xf32>
    %swap3A_48 = vector.shape_cast %broadcast_in_dim3A_44 : vector<16xf32> to vector<16xf32>
    tpu.vector_store %arg14[%swap3A_45], %swap3A_48 {strides = array<i32>} : memref<128xf32, #tpu.memory_space<vmem>>, vector<16xf32>,
    %barrier3A = arith.constant 0 : index
    tpu.barrier barrier_id(%barrier3A)
    %run_scoped3A = arith.constant 0 : i32
    %run_scoped3A_49 = arith.constant 0 : i32
    "tpu.region"() ({
      %run_scoped3A_256 = tpu.sem_alloc : memref<!tpu.dma_semaphore, #tpu.memory_space<semaphore_mem>>
      %dma_start3A_257 = arith.constant 0 : i32
      %dma_start3A_258 = tpu.memref_slice %arg10[%run_scoped3A_49, %dma_start3A_257] : memref<2x128xi32, #tpu.memory_space<vmem>> -> memref<1x128xi32, #tpu.memory_space<vmem>>
      %dma_start3A_259 = tpu.memref_squeeze %dma_start3A_258 : memref<1x128xi32, #tpu.memory_space<vmem>> -> memref<128xi32, #tpu.memory_space<vmem>>
      %dma_start3A_260 = arith.constant 0 : i32
      %dma_start3A_261 = tpu.memref_slice %arg3[%add3A, %run_scoped3A, %dma_start3A_260] : memref<32x79x128xi32, #tpu.memory_space<hbm>> -> memref<1x1x128xi32, #tpu.memory_space<hbm>>
      %dma_start3A_262 = tpu.memref_squeeze %dma_start3A_261 : memref<1x1x128xi32, #tpu.memory_space<hbm>> -> memref<128xi32, #tpu.memory_space<hbm>>
      %dma_start3A_263 = arith.constant 0 : i32
      %dma_start3A_264 = tpu.memref_slice %arg10[%run_scoped3A_49, %dma_start3A_263] : memref<2x128xi32, #tpu.memory_space<vmem>> -> memref<1x128xi32, #tpu.memory_space<vmem>>
      %dma_start3A_265 = tpu.memref_squeeze %dma_start3A_264 : memref<1x128xi32, #tpu.memory_space<vmem>> -> memref<128xi32, #tpu.memory_space<vmem>>
      %dma_start3A_266 = arith.constant 0 : i32
      %dma_start3A_267 = tpu.memref_slice %arg3[%add3A, %run_scoped3A, %dma_start3A_266] : memref<32x79x128xi32, #tpu.memory_space<hbm>> -> memref<1x1x128xi32, #tpu.memory_space<hbm>>
      %dma_start3A_268 = tpu.memref_squeeze %dma_start3A_267 : memref<1x1x128xi32, #tpu.memory_space<hbm>> -> memref<128xi32, #tpu.memory_space<hbm>>
      tpu.enqueue_dma source(%dma_start3A_268 : memref<128xi32, #tpu.memory_space<hbm>>) target(%dma_start3A_265 : memref<128xi32, #tpu.memory_space<vmem>>) target_semaphore(%run_scoped3A_256 : memref<!tpu.dma_semaphore, #tpu.memory_space<semaphore_mem>>)
      %dma_wait3A_269 = arith.constant 0 : i32
      %dma_wait3A_270 = tpu.memref_slice %arg10[%run_scoped3A_49, %dma_wait3A_269] : memref<2x128xi32, #tpu.memory_space<vmem>> -> memref<1x128xi32, #tpu.memory_space<vmem>>
      %dma_wait3A_271 = tpu.memref_squeeze %dma_wait3A_270 : memref<1x128xi32, #tpu.memory_space<vmem>> -> memref<128xi32, #tpu.memory_space<vmem>>
      %dma_wait3A_272 = arith.constant 0 : i32
      %dma_wait3A_273 = tpu.memref_slice %arg3[%add3A, %run_scoped3A, %dma_wait3A_272] : memref<32x79x128xi32, #tpu.memory_space<hbm>> -> memref<1x1x128xi32, #tpu.memory_space<hbm>>
      %dma_wait3A_274 = tpu.memref_squeeze %dma_wait3A_273 : memref<1x1x128xi32, #tpu.memory_space<hbm>> -> memref<128xi32, #tpu.memory_space<hbm>>
      %dma_wait3A_275 = arith.constant 0 : i32
      %dma_wait3A_276 = tpu.memref_slice %arg10[%run_scoped3A_49, %dma_wait3A_275] : memref<2x128xi32, #tpu.memory_space<vmem>> -> memref<1x128xi32, #tpu.memory_space<vmem>>
      %dma_wait3A_277 = tpu.memref_squeeze %dma_wait3A_276 : memref<1x128xi32, #tpu.memory_space<vmem>> -> memref<128xi32, #tpu.memory_space<vmem>>
      %dma_wait3A_278 = arith.constant 0 : i32
      %dma_wait3A_279 = tpu.memref_slice %arg3[%add3A, %run_scoped3A, %dma_wait3A_278] : memref<32x79x128xi32, #tpu.memory_space<hbm>> -> memref<1x1x128xi32, #tpu.memory_space<hbm>>
      %dma_wait3A_280 = tpu.memref_squeeze %dma_wait3A_279 : memref<1x1x128xi32, #tpu.memory_space<hbm>> -> memref<128xi32, #tpu.memory_space<hbm>>
      tpu.wait_dma2 semaphore(%run_scoped3A_256 : memref<!tpu.dma_semaphore, #tpu.memory_space<semaphore_mem>>) src(%dma_wait3A_280 : memref<128xi32, #tpu.memory_space<hbm>>) dst(%dma_wait3A_277 : memref<128xi32, #tpu.memory_space<vmem>>)
      tpu.yield
    }) : () -> ()
    %dma_start3A = arith.constant 1 : i32
    %dma_start3A_50 = arith.constant 1 : i32
    %dma_start3A_51 = arith.constant 0 : i32
    %dma_start3A_52 = tpu.memref_slice %arg10[%dma_start3A_50, %dma_start3A_51] : memref<2x128xi32, #tpu.memory_space<vmem>> -> memref<1x128xi32, #tpu.memory_space<vmem>>
    %dma_start3A_53 = tpu.memref_squeeze %dma_start3A_52 : memref<1x128xi32, #tpu.memory_space<vmem>> -> memref<128xi32, #tpu.memory_space<vmem>>
    %dma_start3A_54 = arith.constant 0 : i32
    %dma_start3A_55 = tpu.memref_slice %arg3[%add3A, %dma_start3A, %dma_start3A_54] : memref<32x79x128xi32, #tpu.memory_space<hbm>> -> memref<1x1x128xi32, #tpu.memory_space<hbm>>
    %dma_start3A_56 = tpu.memref_squeeze %dma_start3A_55 : memref<1x1x128xi32, #tpu.memory_space<hbm>> -> memref<128xi32, #tpu.memory_space<hbm>>
    %dma_start3A_57 = arith.constant 0 : i32
    %dma_start3A_58 = tpu.memref_slice %arg10[%dma_start3A_50, %dma_start3A_57] : memref<2x128xi32, #tpu.memory_space<vmem>> -> memref<1x128xi32, #tpu.memory_space<vmem>>
    %dma_start3A_59 = tpu.memref_squeeze %dma_start3A_58 : memref<1x128xi32, #tpu.memory_space<vmem>> -> memref<128xi32, #tpu.memory_space<vmem>>
    %dma_start3A_60 = arith.constant 0 : i32
    %dma_start3A_61 = tpu.memref_slice %arg3[%add3A, %dma_start3A, %dma_start3A_60] : memref<32x79x128xi32, #tpu.memory_space<hbm>> -> memref<1x1x128xi32, #tpu.memory_space<hbm>>
    %dma_start3A_62 = tpu.memref_squeeze %dma_start3A_61 : memref<1x1x128xi32, #tpu.memory_space<hbm>> -> memref<128xi32, #tpu.memory_space<hbm>>
    tpu.enqueue_dma source(%dma_start3A_62 : memref<128xi32, #tpu.memory_space<hbm>>) target(%dma_start3A_59 : memref<128xi32, #tpu.memory_space<vmem>>) target_semaphore(%arg17 : memref<!tpu.dma_semaphore, #tpu.memory_space<semaphore_mem>>)
    %dma_start3A_63 = arith.constant 0 : i32
    %dma_start3A_64 = arith.constant 0 : i32
    %dma_start3A_65 = arith.constant 0 : i32
    %dma_start3A_66 = tpu.memref_slice %arg12[%dma_start3A_64, %dma_start3A_65] : memref<128x128xf32, #tpu.memory_space<vmem>> -> memref<32x128xf32, #tpu.memory_space<vmem>>
    %dma_start3A_67 = arith.constant 0 : i32
    %dma_start3A_68 = tpu.memref_slice %arg10[%dma_start3A_63, %dma_start3A_67] : memref<2x128xi32, #tpu.memory_space<vmem>> -> memref<1x32xi32, #tpu.memory_space<vmem>>
    %dma_start3A_69 = tpu.memref_squeeze %dma_start3A_68 : memref<1x32xi32, #tpu.memory_space<vmem>> -> memref<32xi32, #tpu.memory_space<vmem>>
    %dma_start3A_70 = arith.constant 0 : i32
    %dma_start3A_71 = arith.constant 0 : i32
    %dma_start3A_72 = tpu.memref_slice %arg2[%dma_start3A_70, %dma_start3A_71] : memref<10000x128xf32, #tpu.memory_space<hbm>> -> memref<10000x128xf32, #tpu.memory_space<hbm>>
    tpu.enqueue_indirect_dma source(%dma_start3A_72 : memref<10000x128xf32, #tpu.memory_space<hbm>>) target(%dma_start3A_66 : memref<32x128xf32, #tpu.memory_space<vmem>>) offsets(%dma_start3A_69 : memref<32xi32, #tpu.memory_space<vmem>>) semaphore(%arg15 : memref<!tpu.dma_semaphore, #tpu.memory_space<semaphore_mem>>)
    %dma_start3A_73 = arith.constant 0 : i32
    %dma_start3A_74 = arith.constant 32 : i32
    %dma_start3A_75 = arith.constant 0 : i32
    %dma_start3A_76 = tpu.memref_slice %arg12[%dma_start3A_74, %dma_start3A_75] : memref<128x128xf32, #tpu.memory_space<vmem>> -> memref<32x128xf32, #tpu.memory_space<vmem>>
    %dma_start3A_77 = arith.constant 32 : i32
    %dma_start3A_78 = tpu.memref_slice %arg10[%dma_start3A_73, %dma_start3A_77] : memref<2x128xi32, #tpu.memory_space<vmem>> -> memref<1x32xi32, #tpu.memory_space<vmem>>
    %dma_start3A_79 = tpu.memref_squeeze %dma_start3A_78 : memref<1x32xi32, #tpu.memory_space<vmem>> -> memref<32xi32, #tpu.memory_space<vmem>>
    %dma_start3A_80 = arith.constant 0 : i32
    %dma_start3A_81 = arith.constant 0 : i32
    %dma_start3A_82 = tpu.memref_slice %arg2[%dma_start3A_80, %dma_start3A_81] : memref<10000x128xf32, #tpu.memory_space<hbm>> -> memref<10000x128xf32, #tpu.memory_space<hbm>>
    tpu.enqueue_indirect_dma source(%dma_start3A_82 : memref<10000x128xf32, #tpu.memory_space<hbm>>) target(%dma_start3A_76 : memref<32x128xf32, #tpu.memory_space<vmem>>) offsets(%dma_start3A_79 : memref<32xi32, #tpu.memory_space<vmem>>) semaphore(%arg15 : memref<!tpu.dma_semaphore, #tpu.memory_space<semaphore_mem>>)
    %dma_start3A_83 = arith.constant 0 : i32
    %dma_start3A_84 = arith.constant 64 : i32
    %dma_start3A_85 = arith.constant 0 : i32
    %dma_start3A_86 = tpu.memref_slice %arg12[%dma_start3A_84, %dma_start3A_85] : memref<128x128xf32, #tpu.memory_space<vmem>> -> memref<32x128xf32, #tpu.memory_space<vmem>>
    %dma_start3A_87 = arith.constant 64 : i32
    %dma_start3A_88 = tpu.memref_slice %arg10[%dma_start3A_83, %dma_start3A_87] : memref<2x128xi32, #tpu.memory_space<vmem>> -> memref<1x32xi32, #tpu.memory_space<vmem>>
    %dma_start3A_89 = tpu.memref_squeeze %dma_start3A_88 : memref<1x32xi32, #tpu.memory_space<vmem>> -> memref<32xi32, #tpu.memory_space<vmem>>
    %dma_start3A_90 = arith.constant 0 : i32
    %dma_start3A_91 = arith.constant 0 : i32
    %dma_start3A_92 = tpu.memref_slice %arg2[%dma_start3A_90, %dma_start3A_91] : memref<10000x128xf32, #tpu.memory_space<hbm>> -> memref<10000x128xf32, #tpu.memory_space<hbm>>
    tpu.enqueue_indirect_dma source(%dma_start3A_92 : memref<10000x128xf32, #tpu.memory_space<hbm>>) target(%dma_start3A_86 : memref<32x128xf32, #tpu.memory_space<vmem>>) offsets(%dma_start3A_89 : memref<32xi32, #tpu.memory_space<vmem>>) semaphore(%arg15 : memref<!tpu.dma_semaphore, #tpu.memory_space<semaphore_mem>>)
    %dma_start3A_93 = arith.constant 0 : i32
    %dma_start3A_94 = arith.constant 96 : i32
    %dma_start3A_95 = arith.constant 0 : i32
    %dma_start3A_96 = tpu.memref_slice %arg12[%dma_start3A_94, %dma_start3A_95] : memref<128x128xf32, #tpu.memory_space<vmem>> -> memref<32x128xf32, #tpu.memory_space<vmem>>
    %dma_start3A_97 = arith.constant 96 : i32
    %dma_start3A_98 = tpu.memref_slice %arg10[%dma_start3A_93, %dma_start3A_97] : memref<2x128xi32, #tpu.memory_space<vmem>> -> memref<1x32xi32, #tpu.memory_space<vmem>>
    %dma_start3A_99 = tpu.memref_squeeze %dma_start3A_98 : memref<1x32xi32, #tpu.memory_space<vmem>> -> memref<32xi32, #tpu.memory_space<vmem>>
    %dma_start3A_100 = arith.constant 0 : i32
    %dma_start3A_101 = arith.constant 0 : i32
    %dma_start3A_102 = tpu.memref_slice %arg2[%dma_start3A_100, %dma_start3A_101] : memref<10000x128xf32, #tpu.memory_space<hbm>> -> memref<10000x128xf32, #tpu.memory_space<hbm>>
    tpu.enqueue_indirect_dma source(%dma_start3A_102 : memref<10000x128xf32, #tpu.memory_space<hbm>>) target(%dma_start3A_96 : memref<32x128xf32, #tpu.memory_space<vmem>>) offsets(%dma_start3A_99 : memref<32xi32, #tpu.memory_space<vmem>>) semaphore(%arg15 : memref<!tpu.dma_semaphore, #tpu.memory_space<semaphore_mem>>)
    %dma_wait3A = arith.constant 0 : i32
    %dma_wait3A_103 = arith.constant 1 : i32
    %dma_wait3A_104 = arith.constant 0 : i32
    %dma_wait3A_105 = tpu.memref_slice %arg10[%dma_wait3A_103, %dma_wait3A_104] : memref<2x128xi32, #tpu.memory_space<vmem>> -> memref<1x128xi32, #tpu.memory_space<vmem>>
    %dma_wait3A_106 = tpu.memref_squeeze %dma_wait3A_105 : memref<1x128xi32, #tpu.memory_space<vmem>> -> memref<128xi32, #tpu.memory_space<vmem>>
    %dma_wait3A_107 = arith.constant 0 : i32
    %dma_wait3A_108 = tpu.memref_slice %arg3[%add3A, %dma_wait3A, %dma_wait3A_107] : memref<32x79x128xi32, #tpu.memory_space<hbm>> -> memref<1x1x128xi32, #tpu.memory_space<hbm>>
    %dma_wait3A_109 = tpu.memref_squeeze %dma_wait3A_108 : memref<1x1x128xi32, #tpu.memory_space<hbm>> -> memref<128xi32, #tpu.memory_space<hbm>>
    %dma_wait3A_110 = arith.constant 0 : i32
    %dma_wait3A_111 = tpu.memref_slice %arg10[%dma_wait3A_103, %dma_wait3A_110] : memref<2x128xi32, #tpu.memory_space<vmem>> -> memref<1x128xi32, #tpu.memory_space<vmem>>
    %dma_wait3A_112 = tpu.memref_squeeze %dma_wait3A_111 : memref<1x128xi32, #tpu.memory_space<vmem>> -> memref<128xi32, #tpu.memory_space<vmem>>
    %dma_wait3A_113 = arith.constant 0 : i32
    %dma_wait3A_114 = tpu.memref_slice %arg3[%add3A, %dma_wait3A, %dma_wait3A_113] : memref<32x79x128xi32, #tpu.memory_space<hbm>> -> memref<1x1x128xi32, #tpu.memory_space<hbm>>
    %dma_wait3A_115 = tpu.memref_squeeze %dma_wait3A_114 : memref<1x1x128xi32, #tpu.memory_space<hbm>> -> memref<128xi32, #tpu.memory_space<hbm>>
    tpu.wait_dma2 semaphore(%arg17 : memref<!tpu.dma_semaphore, #tpu.memory_space<semaphore_mem>>) src(%dma_wait3A_115 : memref<128xi32, #tpu.memory_space<hbm>>) dst(%dma_wait3A_112 : memref<128xi32, #tpu.memory_space<vmem>>)
    %dma_wait3A_116 = arith.constant 0 : i32
    %dma_wait3A_117 = arith.constant 0 : i32
    %dma_wait3A_118 = arith.constant 0 : i32
    %dma_wait3A_119 = tpu.memref_slice %arg12[%dma_wait3A_117, %dma_wait3A_118] : memref<128x128xf32, #tpu.memory_space<vmem>> -> memref<32x128xf32, #tpu.memory_space<vmem>>
    %dma_wait3A_120 = arith.constant 0 : i32
    %dma_wait3A_121 = tpu.memref_slice %arg10[%dma_wait3A_116, %dma_wait3A_120] : memref<2x128xi32, #tpu.memory_space<vmem>> -> memref<1x32xi32, #tpu.memory_space<vmem>>
    %dma_wait3A_122 = tpu.memref_squeeze %dma_wait3A_121 : memref<1x32xi32, #tpu.memory_space<vmem>> -> memref<32xi32, #tpu.memory_space<vmem>>
    %dma_wait3A_123 = arith.constant 0 : i32
    %dma_wait3A_124 = arith.constant 0 : i32
    %dma_wait3A_125 = tpu.memref_slice %arg2[%dma_wait3A_123, %dma_wait3A_124] : memref<10000x128xf32, #tpu.memory_space<hbm>> -> memref<10000x128xf32, #tpu.memory_space<hbm>>
    tpu.wait_indirect_dma semaphore(%arg15 : memref<!tpu.dma_semaphore, #tpu.memory_space<semaphore_mem>>) src(%dma_wait3A_125 : memref<10000x128xf32, #tpu.memory_space<hbm>>) dst(%dma_wait3A_119 : memref<32x128xf32, #tpu.memory_space<vmem>>)
    %dma_start3A_126 = arith.constant 1 : i32
    %dma_start3A_127 = arith.constant 0 : i32
    %dma_start3A_128 = arith.constant 0 : i32
    %dma_start3A_129 = tpu.memref_slice %arg13[%dma_start3A_127, %dma_start3A_128] : memref<128x128xf32, #tpu.memory_space<vmem>> -> memref<32x128xf32, #tpu.memory_space<vmem>>
    %dma_start3A_130 = arith.constant 0 : i32
    %dma_start3A_131 = tpu.memref_slice %arg10[%dma_start3A_126, %dma_start3A_130] : memref<2x128xi32, #tpu.memory_space<vmem>> -> memref<1x32xi32, #tpu.memory_space<vmem>>
    %dma_start3A_132 = tpu.memref_squeeze %dma_start3A_131 : memref<1x32xi32, #tpu.memory_space<vmem>> -> memref<32xi32, #tpu.memory_space<vmem>>
    %dma_start3A_133 = arith.constant 0 : i32
    %dma_start3A_134 = arith.constant 0 : i32
    %dma_start3A_135 = tpu.memref_slice %arg2[%dma_start3A_133, %dma_start3A_134] : memref<10000x128xf32, #tpu.memory_space<hbm>> -> memref<10000x128xf32, #tpu.memory_space<hbm>>
    tpu.enqueue_indirect_dma source(%dma_start3A_135 : memref<10000x128xf32, #tpu.memory_space<hbm>>) target(%dma_start3A_129 : memref<32x128xf32, #tpu.memory_space<vmem>>) offsets(%dma_start3A_132 : memref<32xi32, #tpu.memory_space<vmem>>) semaphore(%arg16 : memref<!tpu.dma_semaphore, #tpu.memory_space<semaphore_mem>>)
    %dma_wait3A_136 = arith.constant 0 : i32
    %dma_wait3A_137 = arith.constant 32 : i32
    %dma_wait3A_138 = arith.constant 0 : i32
    %dma_wait3A_139 = tpu.memref_slice %arg12[%dma_wait3A_137, %dma_wait3A_138] : memref<128x128xf32, #tpu.memory_space<vmem>> -> memref<32x128xf32, #tpu.memory_space<vmem>>
    %dma_wait3A_140 = arith.constant 32 : i32
    %dma_wait3A_141 = tpu.memref_slice %arg10[%dma_wait3A_136, %dma_wait3A_140] : memref<2x128xi32, #tpu.memory_space<vmem>> -> memref<1x32xi32, #tpu.memory_space<vmem>>
    %dma_wait3A_142 = tpu.memref_squeeze %dma_wait3A_141 : memref<1x32xi32, #tpu.memory_space<vmem>> -> memref<32xi32, #tpu.memory_space<vmem>>
    %dma_wait3A_143 = arith.constant 0 : i32
    %dma_wait3A_144 = arith.constant 0 : i32
    %dma_wait3A_145 = tpu.memref_slice %arg2[%dma_wait3A_143, %dma_wait3A_144] : memref<10000x128xf32, #tpu.memory_space<hbm>> -> memref<10000x128xf32, #tpu.memory_space<hbm>>
    tpu.wait_indirect_dma semaphore(%arg15 : memref<!tpu.dma_semaphore, #tpu.memory_space<semaphore_mem>>) src(%dma_wait3A_145 : memref<10000x128xf32, #tpu.memory_space<hbm>>) dst(%dma_wait3A_139 : memref<32x128xf32, #tpu.memory_space<vmem>>)
    %dma_start3A_146 = arith.constant 1 : i32
    %dma_start3A_147 = arith.constant 32 : i32
    %dma_start3A_148 = arith.constant 0 : i32
    %dma_start3A_149 = tpu.memref_slice %arg13[%dma_start3A_147, %dma_start3A_148] : memref<128x128xf32, #tpu.memory_space<vmem>> -> memref<32x128xf32, #tpu.memory_space<vmem>>
    %dma_start3A_150 = arith.constant 32 : i32
    %dma_start3A_151 = tpu.memref_slice %arg10[%dma_start3A_146, %dma_start3A_150] : memref<2x128xi32, #tpu.memory_space<vmem>> -> memref<1x32xi32, #tpu.memory_space<vmem>>
    %dma_start3A_152 = tpu.memref_squeeze %dma_start3A_151 : memref<1x32xi32, #tpu.memory_space<vmem>> -> memref<32xi32, #tpu.memory_space<vmem>>
    %dma_start3A_153 = arith.constant 0 : i32
    %dma_start3A_154 = arith.constant 0 : i32
    %dma_start3A_155 = tpu.memref_slice %arg2[%dma_start3A_153, %dma_start3A_154] : memref<10000x128xf32, #tpu.memory_space<hbm>> -> memref<10000x128xf32, #tpu.memory_space<hbm>>
    tpu.enqueue_indirect_dma source(%dma_start3A_155 : memref<10000x128xf32, #tpu.memory_space<hbm>>) target(%dma_start3A_149 : memref<32x128xf32, #tpu.memory_space<vmem>>) offsets(%dma_start3A_152 : memref<32xi32, #tpu.memory_space<vmem>>) semaphore(%arg16 : memref<!tpu.dma_semaphore, #tpu.memory_space<semaphore_mem>>)
    %dma_wait3A_156 = arith.constant 0 : i32
    %dma_wait3A_157 = arith.constant 64 : i32
    %dma_wait3A_158 = arith.constant 0 : i32
    %dma_wait3A_159 = tpu.memref_slice %arg12[%dma_wait3A_157, %dma_wait3A_158] : memref<128x128xf32, #tpu.memory_space<vmem>> -> memref<32x128xf32, #tpu.memory_space<vmem>>
    %dma_wait3A_160 = arith.constant 64 : i32
    %dma_wait3A_161 = tpu.memref_slice %arg10[%dma_wait3A_156, %dma_wait3A_160] : memref<2x128xi32, #tpu.memory_space<vmem>> -> memref<1x32xi32, #tpu.memory_space<vmem>>
    %dma_wait3A_162 = tpu.memref_squeeze %dma_wait3A_161 : memref<1x32xi32, #tpu.memory_space<vmem>> -> memref<32xi32, #tpu.memory_space<vmem>>
    %dma_wait3A_163 = arith.constant 0 : i32
    %dma_wait3A_164 = arith.constant 0 : i32
    %dma_wait3A_165 = tpu.memref_slice %arg2[%dma_wait3A_163, %dma_wait3A_164] : memref<10000x128xf32, #tpu.memory_space<hbm>> -> memref<10000x128xf32, #tpu.memory_space<hbm>>
    tpu.wait_indirect_dma semaphore(%arg15 : memref<!tpu.dma_semaphore, #tpu.memory_space<semaphore_mem>>) src(%dma_wait3A_165 : memref<10000x128xf32, #tpu.memory_space<hbm>>) dst(%dma_wait3A_159 : memref<32x128xf32, #tpu.memory_space<vmem>>)
    %dma_start3A_166 = arith.constant 1 : i32
    %dma_start3A_167 = arith.constant 64 : i32
    %dma_start3A_168 = arith.constant 0 : i32
    %dma_start3A_169 = tpu.memref_slice %arg13[%dma_start3A_167, %dma_start3A_168] : memref<128x128xf32, #tpu.memory_space<vmem>> -> memref<32x128xf32, #tpu.memory_space<vmem>>
    %dma_start3A_170 = arith.constant 64 : i32
    %dma_start3A_171 = tpu.memref_slice %arg10[%dma_start3A_166, %dma_start3A_170] : memref<2x128xi32, #tpu.memory_space<vmem>> -> memref<1x32xi32, #tpu.memory_space<vmem>>
    %dma_start3A_172 = tpu.memref_squeeze %dma_start3A_171 : memref<1x32xi32, #tpu.memory_space<vmem>> -> memref<32xi32, #tpu.memory_space<vmem>>
    %dma_start3A_173 = arith.constant 0 : i32
    %dma_start3A_174 = arith.constant 0 : i32
    %dma_start3A_175 = tpu.memref_slice %arg2[%dma_start3A_173, %dma_start3A_174] : memref<10000x128xf32, #tpu.memory_space<hbm>> -> memref<10000x128xf32, #tpu.memory_space<hbm>>
    tpu.enqueue_indirect_dma source(%dma_start3A_175 : memref<10000x128xf32, #tpu.memory_space<hbm>>) target(%dma_start3A_169 : memref<32x128xf32, #tpu.memory_space<vmem>>) offsets(%dma_start3A_172 : memref<32xi32, #tpu.memory_space<vmem>>) semaphore(%arg16 : memref<!tpu.dma_semaphore, #tpu.memory_space<semaphore_mem>>)
    %dma_wait3A_176 = arith.constant 0 : i32
    %dma_wait3A_177 = arith.constant 96 : i32
    %dma_wait3A_178 = arith.constant 0 : i32
    %dma_wait3A_179 = tpu.memref_slice %arg12[%dma_wait3A_177, %dma_wait3A_178] : memref<128x128xf32, #tpu.memory_space<vmem>> -> memref<32x128xf32, #tpu.memory_space<vmem>>
    %dma_wait3A_180 = arith.constant 96 : i32
    %dma_wait3A_181 = tpu.memref_slice %arg10[%dma_wait3A_176, %dma_wait3A_180] : memref<2x128xi32, #tpu.memory_space<vmem>> -> memref<1x32xi32, #tpu.memory_space<vmem>>
    %dma_wait3A_182 = tpu.memref_squeeze %dma_wait3A_181 : memref<1x32xi32, #tpu.memory_space<vmem>> -> memref<32xi32, #tpu.memory_space<vmem>>
    %dma_wait3A_183 = arith.constant 0 : i32
    %dma_wait3A_184 = arith.constant 0 : i32
    %dma_wait3A_185 = tpu.memref_slice %arg2[%dma_wait3A_183, %dma_wait3A_184] : memref<10000x128xf32, #tpu.memory_space<hbm>> -> memref<10000x128xf32, #tpu.memory_space<hbm>>
    tpu.wait_indirect_dma semaphore(%arg15 : memref<!tpu.dma_semaphore, #tpu.memory_space<semaphore_mem>>) src(%dma_wait3A_185 : memref<10000x128xf32, #tpu.memory_space<hbm>>) dst(%dma_wait3A_179 : memref<32x128xf32, #tpu.memory_space<vmem>>)
    %dma_start3A_186 = arith.constant 1 : i32
    %dma_start3A_187 = arith.constant 96 : i32
    %dma_start3A_188 = arith.constant 0 : i32
    %dma_start3A_189 = tpu.memref_slice %arg13[%dma_start3A_187, %dma_start3A_188] : memref<128x128xf32, #tpu.memory_space<vmem>> -> memref<32x128xf32, #tpu.memory_space<vmem>>
    %dma_start3A_190 = arith.constant 96 : i32
    %dma_start3A_191 = tpu.memref_slice %arg10[%dma_start3A_186, %dma_start3A_190] : memref<2x128xi32, #tpu.memory_space<vmem>> -> memref<1x32xi32, #tpu.memory_space<vmem>>
    %dma_start3A_192 = tpu.memref_squeeze %dma_start3A_191 : memref<1x32xi32, #tpu.memory_space<vmem>> -> memref<32xi32, #tpu.memory_space<vmem>>
    %dma_start3A_193 = arith.constant 0 : i32
    %dma_start3A_194 = arith.constant 0 : i32
    %dma_start3A_195 = tpu.memref_slice %arg2[%dma_start3A_193, %dma_start3A_194] : memref<10000x128xf32, #tpu.memory_space<hbm>> -> memref<10000x128xf32, #tpu.memory_space<hbm>>
    tpu.enqueue_indirect_dma source(%dma_start3A_195 : memref<10000x128xf32, #tpu.memory_space<hbm>>) target(%dma_start3A_189 : memref<32x128xf32, #tpu.memory_space<vmem>>) offsets(%dma_start3A_192 : memref<32xi32, #tpu.memory_space<vmem>>) semaphore(%arg16 : memref<!tpu.dma_semaphore, #tpu.memory_space<semaphore_mem>>)
    %dma_start3A_196 = arith.constant 2 : i32
    %dma_start3A_197 = arith.constant 0 : i32
    %dma_start3A_198 = arith.constant 0 : i32
    %dma_start3A_199 = tpu.memref_slice %arg10[%dma_start3A_197, %dma_start3A_198] : memref<2x128xi32, #tpu.memory_space<vmem>> -> memref<1x128xi32, #tpu.memory_space<vmem>>
    %dma_start3A_200 = tpu.memref_squeeze %dma_start3A_199 : memref<1x128xi32, #tpu.memory_space<vmem>> -> memref<128xi32, #tpu.memory_space<vmem>>
    %dma_start3A_201 = arith.constant 0 : i32
    %dma_start3A_202 = tpu.memref_slice %arg3[%add3A, %dma_start3A_196, %dma_start3A_201] : memref<32x79x128xi32, #tpu.memory_space<hbm>> -> memref<1x1x128xi32, #tpu.memory_space<hbm>>
    %dma_start3A_203 = tpu.memref_squeeze %dma_start3A_202 : memref<1x1x128xi32, #tpu.memory_space<hbm>> -> memref<128xi32, #tpu.memory_space<hbm>>
    %dma_start3A_204 = arith.constant 0 : i32
    %dma_start3A_205 = tpu.memref_slice %arg10[%dma_start3A_197, %dma_start3A_204] : memref<2x128xi32, #tpu.memory_space<vmem>> -> memref<1x128xi32, #tpu.memory_space<vmem>>
    %dma_start3A_206 = tpu.memref_squeeze %dma_start3A_205 : memref<1x128xi32, #tpu.memory_space<vmem>> -> memref<128xi32, #tpu.memory_space<vmem>>
    %dma_start3A_207 = arith.constant 0 : i32
    %dma_start3A_208 = tpu.memref_slice %arg3[%add3A, %dma_start3A_196, %dma_start3A_207] : memref<32x79x128xi32, #tpu.memory_space<hbm>> -> memref<1x1x128xi32, #tpu.memory_space<hbm>>
    %dma_start3A_209 = tpu.memref_squeeze %dma_start3A_208 : memref<1x1x128xi32, #tpu.memory_space<hbm>> -> memref<128xi32, #tpu.memory_space<hbm>>
    tpu.enqueue_dma source(%dma_start3A_209 : memref<128xi32, #tpu.memory_space<hbm>>) target(%dma_start3A_206 : memref<128xi32, #tpu.memory_space<vmem>>) target_semaphore(%arg17 : memref<!tpu.dma_semaphore, #tpu.memory_space<semaphore_mem>>)
    %dma_start3A_210 = arith.constant 0 : i32
    %dma_start3A_211 = arith.constant 0 : i32
    %dma_start3A_212 = tpu.memref_slice %arg11[%dma_start3A_210, %dma_start3A_211] : memref<79x128xi32, #tpu.memory_space<vmem>> -> memref<1x128xi32, #tpu.memory_space<vmem>>
    %dma_start3A_213 = tpu.memref_squeeze %dma_start3A_212 : memref<1x128xi32, #tpu.memory_space<vmem>> -> memref<128xi32, #tpu.memory_space<vmem>>
    %dma_start3A_214 = arith.constant 0 : i32
    %dma_start3A_215 = arith.constant 0 : i32
    %dma_start3A_216 = tpu.memref_slice %arg21[%dma_start3A_214, %dma_start3A_215] : memref<10240x128xf32, #tpu.memory_space<vmem_shared>> -> memref<10240x128xf32, #tpu.memory_space<vmem_shared>>
    tpu.enqueue_indirect_dma source(%arg12 : memref<128x128xf32, #tpu.memory_space<vmem>>) target(%dma_start3A_216 : memref<10240x128xf32, #tpu.memory_space<vmem_shared>>) offsets(%dma_start3A_213 : memref<128xi32, #tpu.memory_space<vmem>>) semaphore(%arg18 : memref<!tpu.dma_semaphore, #tpu.memory_space<semaphore_mem>>) {add = true}
    %dma_start3A_217 = arith.constant 0 : i32
    %dma_start3A_218 = arith.constant 0 : i32
    %dma_start3A_219 = tpu.memref_slice %arg11[%dma_start3A_217, %dma_start3A_218] : memref<79x128xi32, #tpu.memory_space<vmem>> -> memref<1x128xi32, #tpu.memory_space<vmem>>
    %dma_start3A_220 = tpu.memref_squeeze %dma_start3A_219 : memref<1x128xi32, #tpu.memory_space<vmem>> -> memref<128xi32, #tpu.memory_space<vmem>>
    %dma_start3A_221 = arith.constant 0 : i32
    %dma_start3A_222 = tpu.memref_slice %arg22[%dma_start3A_221] : memref<10240xf32, #tpu.memory_space<vmem_shared>> -> memref<10240xf32, #tpu.memory_space<vmem_shared>>
    tpu.enqueue_indirect_dma source(%arg14 : memref<128xf32, #tpu.memory_space<vmem>>) target(%dma_start3A_222 : memref<10240xf32, #tpu.memory_space<vmem_shared>>) offsets(%dma_start3A_220 : memref<128xi32, #tpu.memory_space<vmem>>) semaphore(%arg20 : memref<!tpu.dma_semaphore, #tpu.memory_space<semaphore_mem>>) {add = true}
    %scan3A = arith.constant 0 : i32
    %scan3A_223 = arith.constant 0 : i32
    %scan3A_224 = arith.constant 39 : i32
    %scan3A_225 = arith.addi %scan3A_223, %scan3A_224 : i32
    %scan3A_226 = arith.constant 1 : i32
    scf.for %scan3A_256 = %scan3A_223 to %scan3A_225 step %scan3A_226  : i32 {
      %mul3A_257 = arith.constant 2 : i32
      %mul3A_258 = arith.muli %scan3A_256, %mul3A_257 : i32
      %add3A_259 = arith.constant 1 : i32
      %add3A_260 = arith.addi %mul3A_258, %add3A_259 : i32
      %add3A_261 = arith.constant 1 : i32
      %add3A_262 = arith.addi %add3A_260, %add3A_261 : i32
      %lt3A = arith.constant 79 : i32
      %lt3A_263 = arith.cmpi slt, %add3A_262, %lt3A : i32
      %convert_element_type3A_264 = arith.extui %lt3A_263 : i1 to i32
      %cond3A_265 = arith.constant 0 : i32
      %cond3A_266 = arith.cmpi ne, %convert_element_type3A_264, %cond3A_265 : i32
      scf.if %cond3A_266 {
        %dma_wait3A_450 = arith.constant 0 : i32
        %dma_wait3A_451 = arith.constant 0 : i32
        %dma_wait3A_452 = tpu.memref_slice %arg11[%dma_wait3A_450, %dma_wait3A_451] : memref<79x128xi32, #tpu.memory_space<vmem>> -> memref<1x128xi32, #tpu.memory_space<vmem>>
        %dma_wait3A_453 = tpu.memref_squeeze %dma_wait3A_452 : memref<1x128xi32, #tpu.memory_space<vmem>> -> memref<128xi32, #tpu.memory_space<vmem>>
        %dma_wait3A_454 = arith.constant 0 : i32
        %dma_wait3A_455 = arith.constant 0 : i32
        %dma_wait3A_456 = tpu.memref_slice %arg21[%dma_wait3A_454, %dma_wait3A_455] : memref<10240x128xf32, #tpu.memory_space<vmem_shared>> -> memref<10240x128xf32, #tpu.memory_space<vmem_shared>>
        tpu.wait_indirect_dma semaphore(%arg18 : memref<!tpu.dma_semaphore, #tpu.memory_space<semaphore_mem>>) src(%arg12 : memref<128x128xf32, #tpu.memory_space<vmem>>) dst(%dma_wait3A_456 : memref<10240x128xf32, #tpu.memory_space<vmem_shared>>)
        %dma_wait3A_457 = arith.constant 0 : i32
        %dma_wait3A_458 = arith.constant 0 : i32
        %dma_wait3A_459 = arith.constant 0 : i32
        %dma_wait3A_460 = tpu.memref_slice %arg10[%dma_wait3A_458, %dma_wait3A_459] : memref<2x128xi32, #tpu.memory_space<vmem>> -> memref<1x128xi32, #tpu.memory_space<vmem>>
        %dma_wait3A_461 = tpu.memref_squeeze %dma_wait3A_460 : memref<1x128xi32, #tpu.memory_space<vmem>> -> memref<128xi32, #tpu.memory_space<vmem>>
        %dma_wait3A_462 = arith.constant 0 : i32
        %dma_wait3A_463 = tpu.memref_slice %arg3[%add3A, %dma_wait3A_457, %dma_wait3A_462] : memref<32x79x128xi32, #tpu.memory_space<hbm>> -> memref<1x1x128xi32, #tpu.memory_space<hbm>>
        %dma_wait3A_464 = tpu.memref_squeeze %dma_wait3A_463 : memref<1x1x128xi32, #tpu.memory_space<hbm>> -> memref<128xi32, #tpu.memory_space<hbm>>
        %dma_wait3A_465 = arith.constant 0 : i32
        %dma_wait3A_466 = tpu.memref_slice %arg10[%dma_wait3A_458, %dma_wait3A_465] : memref<2x128xi32, #tpu.memory_space<vmem>> -> memref<1x128xi32, #tpu.memory_space<vmem>>
        %dma_wait3A_467 = tpu.memref_squeeze %dma_wait3A_466 : memref<1x128xi32, #tpu.memory_space<vmem>> -> memref<128xi32, #tpu.memory_space<vmem>>
        %dma_wait3A_468 = arith.constant 0 : i32
        %dma_wait3A_469 = tpu.memref_slice %arg3[%add3A, %dma_wait3A_457, %dma_wait3A_468] : memref<32x79x128xi32, #tpu.memory_space<hbm>> -> memref<1x1x128xi32, #tpu.memory_space<hbm>>
        %dma_wait3A_470 = tpu.memref_squeeze %dma_wait3A_469 : memref<1x1x128xi32, #tpu.memory_space<hbm>> -> memref<128xi32, #tpu.memory_space<hbm>>
        tpu.wait_dma2 semaphore(%arg17 : memref<!tpu.dma_semaphore, #tpu.memory_space<semaphore_mem>>) src(%dma_wait3A_470 : memref<128xi32, #tpu.memory_space<hbm>>) dst(%dma_wait3A_467 : memref<128xi32, #tpu.memory_space<vmem>>)
      } else {
      }
      %dma_wait3A_267 = arith.constant 1 : i32
      %dma_wait3A_268 = arith.constant 0 : i32
      %dma_wait3A_269 = arith.constant 0 : i32
      %dma_wait3A_270 = tpu.memref_slice %arg13[%dma_wait3A_268, %dma_wait3A_269] : memref<128x128xf32, #tpu.memory_space<vmem>> -> memref<32x128xf32, #tpu.memory_space<vmem>>
      %dma_wait3A_271 = arith.constant 0 : i32
      %dma_wait3A_272 = tpu.memref_slice %arg10[%dma_wait3A_267, %dma_wait3A_271] : memref<2x128xi32, #tpu.memory_space<vmem>> -> memref<1x32xi32, #tpu.memory_space<vmem>>
      %dma_wait3A_273 = tpu.memref_squeeze %dma_wait3A_272 : memref<1x32xi32, #tpu.memory_space<vmem>> -> memref<32xi32, #tpu.memory_space<vmem>>
      %dma_wait3A_274 = arith.constant 0 : i32
      %dma_wait3A_275 = arith.constant 0 : i32
      %dma_wait3A_276 = tpu.memref_slice %arg2[%dma_wait3A_274, %dma_wait3A_275] : memref<10000x128xf32, #tpu.memory_space<hbm>> -> memref<10000x128xf32, #tpu.memory_space<hbm>>
      tpu.wait_indirect_dma semaphore(%arg16 : memref<!tpu.dma_semaphore, #tpu.memory_space<semaphore_mem>>) src(%dma_wait3A_276 : memref<10000x128xf32, #tpu.memory_space<hbm>>) dst(%dma_wait3A_270 : memref<32x128xf32, #tpu.memory_space<vmem>>)
      %add3A_277 = arith.constant 1 : i32
      %add3A_278 = arith.addi %add3A_260, %add3A_277 : i32
      %lt3A_279 = arith.constant 79 : i32
      %lt3A_280 = arith.cmpi slt, %add3A_278, %lt3A_279 : i32
      %convert_element_type3A_281 = arith.extui %lt3A_280 : i1 to i32
      %cond3A_282 = arith.constant 0 : i32
      %cond3A_283 = arith.cmpi ne, %convert_element_type3A_281, %cond3A_282 : i32
      scf.if %cond3A_283 {
        %dma_start3A_450 = arith.constant 0 : i32
        %dma_start3A_451 = arith.constant 0 : i32
        %dma_start3A_452 = arith.constant 0 : i32
        %dma_start3A_453 = tpu.memref_slice %arg12[%dma_start3A_451, %dma_start3A_452] : memref<128x128xf32, #tpu.memory_space<vmem>> -> memref<32x128xf32, #tpu.memory_space<vmem>>
        %dma_start3A_454 = arith.constant 0 : i32
        %dma_start3A_455 = tpu.memref_slice %arg10[%dma_start3A_450, %dma_start3A_454] : memref<2x128xi32, #tpu.memory_space<vmem>> -> memref<1x32xi32, #tpu.memory_space<vmem>>
        %dma_start3A_456 = tpu.memref_squeeze %dma_start3A_455 : memref<1x32xi32, #tpu.memory_space<vmem>> -> memref<32xi32, #tpu.memory_space<vmem>>
        %dma_start3A_457 = arith.constant 0 : i32
        %dma_start3A_458 = arith.constant 0 : i32
        %dma_start3A_459 = tpu.memref_slice %arg2[%dma_start3A_457, %dma_start3A_458] : memref<10000x128xf32, #tpu.memory_space<hbm>> -> memref<10000x128xf32, #tpu.memory_space<hbm>>
        tpu.enqueue_indirect_dma source(%dma_start3A_459 : memref<10000x128xf32, #tpu.memory_space<hbm>>) target(%dma_start3A_453 : memref<32x128xf32, #tpu.memory_space<vmem>>) offsets(%dma_start3A_456 : memref<32xi32, #tpu.memory_space<vmem>>) semaphore(%arg15 : memref<!tpu.dma_semaphore, #tpu.memory_space<semaphore_mem>>)
      } else {
      }
      %dma_wait3A_284 = arith.constant 1 : i32
      %dma_wait3A_285 = arith.constant 32 : i32
      %dma_wait3A_286 = arith.constant 0 : i32
      %dma_wait3A_287 = tpu.memref_slice %arg13[%dma_wait3A_285, %dma_wait3A_286] : memref<128x128xf32, #tpu.memory_space<vmem>> -> memref<32x128xf32, #tpu.memory_space<vmem>>
      %dma_wait3A_288 = arith.constant 32 : i32
      %dma_wait3A_289 = tpu.memref_slice %arg10[%dma_wait3A_284, %dma_wait3A_288] : memref<2x128xi32, #tpu.memory_space<vmem>> -> memref<1x32xi32, #tpu.memory_space<vmem>>
      %dma_wait3A_290 = tpu.memref_squeeze %dma_wait3A_289 : memref<1x32xi32, #tpu.memory_space<vmem>> -> memref<32xi32, #tpu.memory_space<vmem>>
      %dma_wait3A_291 = arith.constant 0 : i32
      %dma_wait3A_292 = arith.constant 0 : i32
      %dma_wait3A_293 = tpu.memref_slice %arg2[%dma_wait3A_291, %dma_wait3A_292] : memref<10000x128xf32, #tpu.memory_space<hbm>> -> memref<10000x128xf32, #tpu.memory_space<hbm>>
      tpu.wait_indirect_dma semaphore(%arg16 : memref<!tpu.dma_semaphore, #tpu.memory_space<semaphore_mem>>) src(%dma_wait3A_293 : memref<10000x128xf32, #tpu.memory_space<hbm>>) dst(%dma_wait3A_287 : memref<32x128xf32, #tpu.memory_space<vmem>>)
      %add3A_294 = arith.constant 1 : i32
      %add3A_295 = arith.addi %add3A_260, %add3A_294 : i32
      %lt3A_296 = arith.constant 79 : i32
      %lt3A_297 = arith.cmpi slt, %add3A_295, %lt3A_296 : i32
      %convert_element_type3A_298 = arith.extui %lt3A_297 : i1 to i32
      %cond3A_299 = arith.constant 0 : i32
      %cond3A_300 = arith.cmpi ne, %convert_element_type3A_298, %cond3A_299 : i32
      scf.if %cond3A_300 {
        %dma_start3A_450 = arith.constant 0 : i32
        %dma_start3A_451 = arith.constant 32 : i32
        %dma_start3A_452 = arith.constant 0 : i32
        %dma_start3A_453 = tpu.memref_slice %arg12[%dma_start3A_451, %dma_start3A_452] : memref<128x128xf32, #tpu.memory_space<vmem>> -> memref<32x128xf32, #tpu.memory_space<vmem>>
        %dma_start3A_454 = arith.constant 32 : i32
        %dma_start3A_455 = tpu.memref_slice %arg10[%dma_start3A_450, %dma_start3A_454] : memref<2x128xi32, #tpu.memory_space<vmem>> -> memref<1x32xi32, #tpu.memory_space<vmem>>
        %dma_start3A_456 = tpu.memref_squeeze %dma_start3A_455 : memref<1x32xi32, #tpu.memory_space<vmem>> -> memref<32xi32, #tpu.memory_space<vmem>>
        %dma_start3A_457 = arith.constant 0 : i32
        %dma_start3A_458 = arith.constant 0 : i32
        %dma_start3A_459 = tpu.memref_slice %arg2[%dma_start3A_457, %dma_start3A_458] : memref<10000x128xf32, #tpu.memory_space<hbm>> -> memref<10000x128xf32, #tpu.memory_space<hbm>>
        tpu.enqueue_indirect_dma source(%dma_start3A_459 : memref<10000x128xf32, #tpu.memory_space<hbm>>) target(%dma_start3A_453 : memref<32x128xf32, #tpu.memory_space<vmem>>) offsets(%dma_start3A_456 : memref<32xi32, #tpu.memory_space<vmem>>) semaphore(%arg15 : memref<!tpu.dma_semaphore, #tpu.memory_space<semaphore_mem>>)
      } else {
      }
      %dma_wait3A_301 = arith.constant 1 : i32
      %dma_wait3A_302 = arith.constant 64 : i32
      %dma_wait3A_303 = arith.constant 0 : i32
      %dma_wait3A_304 = tpu.memref_slice %arg13[%dma_wait3A_302, %dma_wait3A_303] : memref<128x128xf32, #tpu.memory_space<vmem>> -> memref<32x128xf32, #tpu.memory_space<vmem>>
      %dma_wait3A_305 = arith.constant 64 : i32
      %dma_wait3A_306 = tpu.memref_slice %arg10[%dma_wait3A_301, %dma_wait3A_305] : memref<2x128xi32, #tpu.memory_space<vmem>> -> memref<1x32xi32, #tpu.memory_space<vmem>>
      %dma_wait3A_307 = tpu.memref_squeeze %dma_wait3A_306 : memref<1x32xi32, #tpu.memory_space<vmem>> -> memref<32xi32, #tpu.memory_space<vmem>>
      %dma_wait3A_308 = arith.constant 0 : i32
      %dma_wait3A_309 = arith.constant 0 : i32
      %dma_wait3A_310 = tpu.memref_slice %arg2[%dma_wait3A_308, %dma_wait3A_309] : memref<10000x128xf32, #tpu.memory_space<hbm>> -> memref<10000x128xf32, #tpu.memory_space<hbm>>
      tpu.wait_indirect_dma semaphore(%arg16 : memref<!tpu.dma_semaphore, #tpu.memory_space<semaphore_mem>>) src(%dma_wait3A_310 : memref<10000x128xf32, #tpu.memory_space<hbm>>) dst(%dma_wait3A_304 : memref<32x128xf32, #tpu.memory_space<vmem>>)
      %add3A_311 = arith.constant 1 : i32
      %add3A_312 = arith.addi %add3A_260, %add3A_311 : i32
      %lt3A_313 = arith.constant 79 : i32
      %lt3A_314 = arith.cmpi slt, %add3A_312, %lt3A_313 : i32
      %convert_element_type3A_315 = arith.extui %lt3A_314 : i1 to i32
      %cond3A_316 = arith.constant 0 : i32
      %cond3A_317 = arith.cmpi ne, %convert_element_type3A_315, %cond3A_316 : i32
      scf.if %cond3A_317 {
        %dma_start3A_450 = arith.constant 0 : i32
        %dma_start3A_451 = arith.constant 64 : i32
        %dma_start3A_452 = arith.constant 0 : i32
        %dma_start3A_453 = tpu.memref_slice %arg12[%dma_start3A_451, %dma_start3A_452] : memref<128x128xf32, #tpu.memory_space<vmem>> -> memref<32x128xf32, #tpu.memory_space<vmem>>
        %dma_start3A_454 = arith.constant 64 : i32
        %dma_start3A_455 = tpu.memref_slice %arg10[%dma_start3A_450, %dma_start3A_454] : memref<2x128xi32, #tpu.memory_space<vmem>> -> memref<1x32xi32, #tpu.memory_space<vmem>>
        %dma_start3A_456 = tpu.memref_squeeze %dma_start3A_455 : memref<1x32xi32, #tpu.memory_space<vmem>> -> memref<32xi32, #tpu.memory_space<vmem>>
        %dma_start3A_457 = arith.constant 0 : i32
        %dma_start3A_458 = arith.constant 0 : i32
        %dma_start3A_459 = tpu.memref_slice %arg2[%dma_start3A_457, %dma_start3A_458] : memref<10000x128xf32, #tpu.memory_space<hbm>> -> memref<10000x128xf32, #tpu.memory_space<hbm>>
        tpu.enqueue_indirect_dma source(%dma_start3A_459 : memref<10000x128xf32, #tpu.memory_space<hbm>>) target(%dma_start3A_453 : memref<32x128xf32, #tpu.memory_space<vmem>>) offsets(%dma_start3A_456 : memref<32xi32, #tpu.memory_space<vmem>>) semaphore(%arg15 : memref<!tpu.dma_semaphore, #tpu.memory_space<semaphore_mem>>)
      } else {
      }
      %dma_wait3A_318 = arith.constant 1 : i32
      %dma_wait3A_319 = arith.constant 96 : i32
      %dma_wait3A_320 = arith.constant 0 : i32
      %dma_wait3A_321 = tpu.memref_slice %arg13[%dma_wait3A_319, %dma_wait3A_320] : memref<128x128xf32, #tpu.memory_space<vmem>> -> memref<32x128xf32, #tpu.memory_space<vmem>>
      %dma_wait3A_322 = arith.constant 96 : i32
      %dma_wait3A_323 = tpu.memref_slice %arg10[%dma_wait3A_318, %dma_wait3A_322] : memref<2x128xi32, #tpu.memory_space<vmem>> -> memref<1x32xi32, #tpu.memory_space<vmem>>
      %dma_wait3A_324 = tpu.memref_squeeze %dma_wait3A_323 : memref<1x32xi32, #tpu.memory_space<vmem>> -> memref<32xi32, #tpu.memory_space<vmem>>
      %dma_wait3A_325 = arith.constant 0 : i32
      %dma_wait3A_326 = arith.constant 0 : i32
      %dma_wait3A_327 = tpu.memref_slice %arg2[%dma_wait3A_325, %dma_wait3A_326] : memref<10000x128xf32, #tpu.memory_space<hbm>> -> memref<10000x128xf32, #tpu.memory_space<hbm>>
      tpu.wait_indirect_dma semaphore(%arg16 : memref<!tpu.dma_semaphore, #tpu.memory_space<semaphore_mem>>) src(%dma_wait3A_327 : memref<10000x128xf32, #tpu.memory_space<hbm>>) dst(%dma_wait3A_321 : memref<32x128xf32, #tpu.memory_space<vmem>>)
      %add3A_328 = arith.constant 1 : i32
      %add3A_329 = arith.addi %add3A_260, %add3A_328 : i32
      %lt3A_330 = arith.constant 79 : i32
      %lt3A_331 = arith.cmpi slt, %add3A_329, %lt3A_330 : i32
      %convert_element_type3A_332 = arith.extui %lt3A_331 : i1 to i32
      %cond3A_333 = arith.constant 0 : i32
      %cond3A_334 = arith.cmpi ne, %convert_element_type3A_332, %cond3A_333 : i32
      scf.if %cond3A_334 {
        %dma_start3A_450 = arith.constant 0 : i32
        %dma_start3A_451 = arith.constant 96 : i32
        %dma_start3A_452 = arith.constant 0 : i32
        %dma_start3A_453 = tpu.memref_slice %arg12[%dma_start3A_451, %dma_start3A_452] : memref<128x128xf32, #tpu.memory_space<vmem>> -> memref<32x128xf32, #tpu.memory_space<vmem>>
        %dma_start3A_454 = arith.constant 96 : i32
        %dma_start3A_455 = tpu.memref_slice %arg10[%dma_start3A_450, %dma_start3A_454] : memref<2x128xi32, #tpu.memory_space<vmem>> -> memref<1x32xi32, #tpu.memory_space<vmem>>
        %dma_start3A_456 = tpu.memref_squeeze %dma_start3A_455 : memref<1x32xi32, #tpu.memory_space<vmem>> -> memref<32xi32, #tpu.memory_space<vmem>>
        %dma_start3A_457 = arith.constant 0 : i32
        %dma_start3A_458 = arith.constant 0 : i32
        %dma_start3A_459 = tpu.memref_slice %arg2[%dma_start3A_457, %dma_start3A_458] : memref<10000x128xf32, #tpu.memory_space<hbm>> -> memref<10000x128xf32, #tpu.memory_space<hbm>>
        tpu.enqueue_indirect_dma source(%dma_start3A_459 : memref<10000x128xf32, #tpu.memory_space<hbm>>) target(%dma_start3A_453 : memref<32x128xf32, #tpu.memory_space<vmem>>) offsets(%dma_start3A_456 : memref<32xi32, #tpu.memory_space<vmem>>) semaphore(%arg15 : memref<!tpu.dma_semaphore, #tpu.memory_space<semaphore_mem>>)
      } else {
      }
      %add3A_335 = arith.constant 2 : i32
      %add3A_336 = arith.addi %add3A_260, %add3A_335 : i32
      %lt3A_337 = arith.constant 79 : i32
      %lt3A_338 = arith.cmpi slt, %add3A_336, %lt3A_337 : i32
      %convert_element_type3A_339 = arith.extui %lt3A_338 : i1 to i32
      %cond3A_340 = arith.constant 0 : i32
      %cond3A_341 = arith.cmpi ne, %convert_element_type3A_339, %cond3A_340 : i32
      scf.if %cond3A_341 {
        %add3A_450 = arith.constant 2 : i32
        %add3A_451 = arith.addi %add3A_260, %add3A_450 : i32
        %dma_start3A_452 = arith.constant 1 : i32
        %dma_start3A_453 = arith.constant 0 : i32
        %dma_start3A_454 = tpu.memref_slice %arg10[%dma_start3A_452, %dma_start3A_453] : memref<2x128xi32, #tpu.memory_space<vmem>> -> memref<1x128xi32, #tpu.memory_space<vmem>>
        %dma_start3A_455 = tpu.memref_squeeze %dma_start3A_454 : memref<1x128xi32, #tpu.memory_space<vmem>> -> memref<128xi32, #tpu.memory_space<vmem>>
        %dma_start3A_456 = arith.constant 0 : i32
        %dma_start3A_457 = tpu.memref_slice %arg3[%add3A, %add3A_451, %dma_start3A_456] : memref<32x79x128xi32, #tpu.memory_space<hbm>> -> memref<1x1x128xi32, #tpu.memory_space<hbm>>
        %dma_start3A_458 = tpu.memref_squeeze %dma_start3A_457 : memref<1x1x128xi32, #tpu.memory_space<hbm>> -> memref<128xi32, #tpu.memory_space<hbm>>
        %dma_start3A_459 = arith.constant 0 : i32
        %dma_start3A_460 = tpu.memref_slice %arg10[%dma_start3A_452, %dma_start3A_459] : memref<2x128xi32, #tpu.memory_space<vmem>> -> memref<1x128xi32, #tpu.memory_space<vmem>>
        %dma_start3A_461 = tpu.memref_squeeze %dma_start3A_460 : memref<1x128xi32, #tpu.memory_space<vmem>> -> memref<128xi32, #tpu.memory_space<vmem>>
        %dma_start3A_462 = arith.constant 0 : i32
        %dma_start3A_463 = tpu.memref_slice %arg3[%add3A, %add3A_451, %dma_start3A_462] : memref<32x79x128xi32, #tpu.memory_space<hbm>> -> memref<1x1x128xi32, #tpu.memory_space<hbm>>
        %dma_start3A_464 = tpu.memref_squeeze %dma_start3A_463 : memref<1x1x128xi32, #tpu.memory_space<hbm>> -> memref<128xi32, #tpu.memory_space<hbm>>
        tpu.enqueue_dma source(%dma_start3A_464 : memref<128xi32, #tpu.memory_space<hbm>>) target(%dma_start3A_461 : memref<128xi32, #tpu.memory_space<vmem>>) target_semaphore(%arg17 : memref<!tpu.dma_semaphore, #tpu.memory_space<semaphore_mem>>)
      } else {
      }
      %dma_start3A_342 = arith.constant 0 : i32
      %dma_start3A_343 = tpu.memref_slice %arg11[%add3A_260, %dma_start3A_342] : memref<79x128xi32, #tpu.memory_space<vmem>> -> memref<1x128xi32, #tpu.memory_space<vmem>>
      %dma_start3A_344 = tpu.memref_squeeze %dma_start3A_343 : memref<1x128xi32, #tpu.memory_space<vmem>> -> memref<128xi32, #tpu.memory_space<vmem>>
      %dma_start3A_345 = arith.constant 0 : i32
      %dma_start3A_346 = arith.constant 0 : i32
      %dma_start3A_347 = tpu.memref_slice %arg21[%dma_start3A_345, %dma_start3A_346] : memref<10240x128xf32, #tpu.memory_space<vmem_shared>> -> memref<10240x128xf32, #tpu.memory_space<vmem_shared>>
      tpu.enqueue_indirect_dma source(%arg13 : memref<128x128xf32, #tpu.memory_space<vmem>>) target(%dma_start3A_347 : memref<10240x128xf32, #tpu.memory_space<vmem_shared>>) offsets(%dma_start3A_344 : memref<128xi32, #tpu.memory_space<vmem>>) semaphore(%arg19 : memref<!tpu.dma_semaphore, #tpu.memory_space<semaphore_mem>>) {add = true}
      %dma_start3A_348 = arith.constant 0 : i32
      %dma_start3A_349 = tpu.memref_slice %arg11[%add3A_260, %dma_start3A_348] : memref<79x128xi32, #tpu.memory_space<vmem>> -> memref<1x128xi32, #tpu.memory_space<vmem>>
      %dma_start3A_350 = tpu.memref_squeeze %dma_start3A_349 : memref<1x128xi32, #tpu.memory_space<vmem>> -> memref<128xi32, #tpu.memory_space<vmem>>
      %dma_start3A_351 = arith.constant 0 : i32
      %dma_start3A_352 = tpu.memref_slice %arg22[%dma_start3A_351] : memref<10240xf32, #tpu.memory_space<vmem_shared>> -> memref<10240xf32, #tpu.memory_space<vmem_shared>>
      tpu.enqueue_indirect_dma source(%arg14 : memref<128xf32, #tpu.memory_space<vmem>>) target(%dma_start3A_352 : memref<10240xf32, #tpu.memory_space<vmem_shared>>) offsets(%dma_start3A_350 : memref<128xi32, #tpu.memory_space<vmem>>) semaphore(%arg20 : memref<!tpu.dma_semaphore, #tpu.memory_space<semaphore_mem>>) {add = true}
      %mul3A_353 = arith.constant 2 : i32
      %mul3A_354 = arith.muli %scan3A_256, %mul3A_353 : i32
      %add3A_355 = arith.constant 2 : i32
      %add3A_356 = arith.addi %mul3A_354, %add3A_355 : i32
      %add3A_357 = arith.constant 1 : i32
      %add3A_358 = arith.addi %add3A_356, %add3A_357 : i32
      %lt3A_359 = arith.constant 79 : i32
      %lt3A_360 = arith.cmpi slt, %add3A_358, %lt3A_359 : i32
      %convert_element_type3A_361 = arith.extui %lt3A_360 : i1 to i32
      %cond3A_362 = arith.constant 0 : i32
      %cond3A_363 = arith.cmpi ne, %convert_element_type3A_361, %cond3A_362 : i32
      scf.if %cond3A_363 {
        %dma_wait3A_450 = arith.constant 0 : i32
        %dma_wait3A_451 = arith.constant 0 : i32
        %dma_wait3A_452 = tpu.memref_slice %arg11[%dma_wait3A_450, %dma_wait3A_451] : memref<79x128xi32, #tpu.memory_space<vmem>> -> memref<1x128xi32, #tpu.memory_space<vmem>>
        %dma_wait3A_453 = tpu.memref_squeeze %dma_wait3A_452 : memref<1x128xi32, #tpu.memory_space<vmem>> -> memref<128xi32, #tpu.memory_space<vmem>>
        %dma_wait3A_454 = arith.constant 0 : i32
        %dma_wait3A_455 = arith.constant 0 : i32
        %dma_wait3A_456 = tpu.memref_slice %arg21[%dma_wait3A_454, %dma_wait3A_455] : memref<10240x128xf32, #tpu.memory_space<vmem_shared>> -> memref<10240x128xf32, #tpu.memory_space<vmem_shared>>
        tpu.wait_indirect_dma semaphore(%arg19 : memref<!tpu.dma_semaphore, #tpu.memory_space<semaphore_mem>>) src(%arg13 : memref<128x128xf32, #tpu.memory_space<vmem>>) dst(%dma_wait3A_456 : memref<10240x128xf32, #tpu.memory_space<vmem_shared>>)
        %dma_wait3A_457 = arith.constant 0 : i32
        %dma_wait3A_458 = arith.constant 1 : i32
        %dma_wait3A_459 = arith.constant 0 : i32
        %dma_wait3A_460 = tpu.memref_slice %arg10[%dma_wait3A_458, %dma_wait3A_459] : memref<2x128xi32, #tpu.memory_space<vmem>> -> memref<1x128xi32, #tpu.memory_space<vmem>>
        %dma_wait3A_461 = tpu.memref_squeeze %dma_wait3A_460 : memref<1x128xi32, #tpu.memory_space<vmem>> -> memref<128xi32, #tpu.memory_space<vmem>>
        %dma_wait3A_462 = arith.constant 0 : i32
        %dma_wait3A_463 = tpu.memref_slice %arg3[%add3A, %dma_wait3A_457, %dma_wait3A_462] : memref<32x79x128xi32, #tpu.memory_space<hbm>> -> memref<1x1x128xi32, #tpu.memory_space<hbm>>
        %dma_wait3A_464 = tpu.memref_squeeze %dma_wait3A_463 : memref<1x1x128xi32, #tpu.memory_space<hbm>> -> memref<128xi32, #tpu.memory_space<hbm>>
        %dma_wait3A_465 = arith.constant 0 : i32
        %dma_wait3A_466 = tpu.memref_slice %arg10[%dma_wait3A_458, %dma_wait3A_465] : memref<2x128xi32, #tpu.memory_space<vmem>> -> memref<1x128xi32, #tpu.memory_space<vmem>>
        %dma_wait3A_467 = tpu.memref_squeeze %dma_wait3A_466 : memref<1x128xi32, #tpu.memory_space<vmem>> -> memref<128xi32, #tpu.memory_space<vmem>>
        %dma_wait3A_468 = arith.constant 0 : i32
        %dma_wait3A_469 = tpu.memref_slice %arg3[%add3A, %dma_wait3A_457, %dma_wait3A_468] : memref<32x79x128xi32, #tpu.memory_space<hbm>> -> memref<1x1x128xi32, #tpu.memory_space<hbm>>
        %dma_wait3A_470 = tpu.memref_squeeze %dma_wait3A_469 : memref<1x1x128xi32, #tpu.memory_space<hbm>> -> memref<128xi32, #tpu.memory_space<hbm>>
        tpu.wait_dma2 semaphore(%arg17 : memref<!tpu.dma_semaphore, #tpu.memory_space<semaphore_mem>>) src(%dma_wait3A_470 : memref<128xi32, #tpu.memory_space<hbm>>) dst(%dma_wait3A_467 : memref<128xi32, #tpu.memory_space<vmem>>)
      } else {
      }
      %dma_wait3A_364 = arith.constant 0 : i32
      %dma_wait3A_365 = arith.constant 0 : i32
      %dma_wait3A_366 = arith.constant 0 : i32
      %dma_wait3A_367 = tpu.memref_slice %arg12[%dma_wait3A_365, %dma_wait3A_366] : memref<128x128xf32, #tpu.memory_space<vmem>> -> memref<32x128xf32, #tpu.memory_space<vmem>>
      %dma_wait3A_368 = arith.constant 0 : i32
      %dma_wait3A_369 = tpu.memref_slice %arg10[%dma_wait3A_364, %dma_wait3A_368] : memref<2x128xi32, #tpu.memory_space<vmem>> -> memref<1x32xi32, #tpu.memory_space<vmem>>
      %dma_wait3A_370 = tpu.memref_squeeze %dma_wait3A_369 : memref<1x32xi32, #tpu.memory_space<vmem>> -> memref<32xi32, #tpu.memory_space<vmem>>
      %dma_wait3A_371 = arith.constant 0 : i32
      %dma_wait3A_372 = arith.constant 0 : i32
      %dma_wait3A_373 = tpu.memref_slice %arg2[%dma_wait3A_371, %dma_wait3A_372] : memref<10000x128xf32, #tpu.memory_space<hbm>> -> memref<10000x128xf32, #tpu.memory_space<hbm>>
      tpu.wait_indirect_dma semaphore(%arg15 : memref<!tpu.dma_semaphore, #tpu.memory_space<semaphore_mem>>) src(%dma_wait3A_373 : memref<10000x128xf32, #tpu.memory_space<hbm>>) dst(%dma_wait3A_367 : memref<32x128xf32, #tpu.memory_space<vmem>>)
      %add3A_374 = arith.constant 1 : i32
      %add3A_375 = arith.addi %add3A_356, %add3A_374 : i32
      %lt3A_376 = arith.constant 79 : i32
      %lt3A_377 = arith.cmpi slt, %add3A_375, %lt3A_376 : i32
      %convert_element_type3A_378 = arith.extui %lt3A_377 : i1 to i32
      %cond3A_379 = arith.constant 0 : i32
      %cond3A_380 = arith.cmpi ne, %convert_element_type3A_378, %cond3A_379 : i32
      scf.if %cond3A_380 {
        %dma_start3A_450 = arith.constant 1 : i32
        %dma_start3A_451 = arith.constant 0 : i32
        %dma_start3A_452 = arith.constant 0 : i32
        %dma_start3A_453 = tpu.memref_slice %arg13[%dma_start3A_451, %dma_start3A_452] : memref<128x128xf32, #tpu.memory_space<vmem>> -> memref<32x128xf32, #tpu.memory_space<vmem>>
        %dma_start3A_454 = arith.constant 0 : i32
        %dma_start3A_455 = tpu.memref_slice %arg10[%dma_start3A_450, %dma_start3A_454] : memref<2x128xi32, #tpu.memory_space<vmem>> -> memref<1x32xi32, #tpu.memory_space<vmem>>
        %dma_start3A_456 = tpu.memref_squeeze %dma_start3A_455 : memref<1x32xi32, #tpu.memory_space<vmem>> -> memref<32xi32, #tpu.memory_space<vmem>>
        %dma_start3A_457 = arith.constant 0 : i32
        %dma_start3A_458 = arith.constant 0 : i32
        %dma_start3A_459 = tpu.memref_slice %arg2[%dma_start3A_457, %dma_start3A_458] : memref<10000x128xf32, #tpu.memory_space<hbm>> -> memref<10000x128xf32, #tpu.memory_space<hbm>>
        tpu.enqueue_indirect_dma source(%dma_start3A_459 : memref<10000x128xf32, #tpu.memory_space<hbm>>) target(%dma_start3A_453 : memref<32x128xf32, #tpu.memory_space<vmem>>) offsets(%dma_start3A_456 : memref<32xi32, #tpu.memory_space<vmem>>) semaphore(%arg16 : memref<!tpu.dma_semaphore, #tpu.memory_space<semaphore_mem>>)
      } else {
      }
      %dma_wait3A_381 = arith.constant 0 : i32
      %dma_wait3A_382 = arith.constant 32 : i32
      %dma_wait3A_383 = arith.constant 0 : i32
      %dma_wait3A_384 = tpu.memref_slice %arg12[%dma_wait3A_382, %dma_wait3A_383] : memref<128x128xf32, #tpu.memory_space<vmem>> -> memref<32x128xf32, #tpu.memory_space<vmem>>
      %dma_wait3A_385 = arith.constant 32 : i32
      %dma_wait3A_386 = tpu.memref_slice %arg10[%dma_wait3A_381, %dma_wait3A_385] : memref<2x128xi32, #tpu.memory_space<vmem>> -> memref<1x32xi32, #tpu.memory_space<vmem>>
      %dma_wait3A_387 = tpu.memref_squeeze %dma_wait3A_386 : memref<1x32xi32, #tpu.memory_space<vmem>> -> memref<32xi32, #tpu.memory_space<vmem>>
      %dma_wait3A_388 = arith.constant 0 : i32
      %dma_wait3A_389 = arith.constant 0 : i32
      %dma_wait3A_390 = tpu.memref_slice %arg2[%dma_wait3A_388, %dma_wait3A_389] : memref<10000x128xf32, #tpu.memory_space<hbm>> -> memref<10000x128xf32, #tpu.memory_space<hbm>>
      tpu.wait_indirect_dma semaphore(%arg15 : memref<!tpu.dma_semaphore, #tpu.memory_space<semaphore_mem>>) src(%dma_wait3A_390 : memref<10000x128xf32, #tpu.memory_space<hbm>>) dst(%dma_wait3A_384 : memref<32x128xf32, #tpu.memory_space<vmem>>)
      %add3A_391 = arith.constant 1 : i32
      %add3A_392 = arith.addi %add3A_356, %add3A_391 : i32
      %lt3A_393 = arith.constant 79 : i32
      %lt3A_394 = arith.cmpi slt, %add3A_392, %lt3A_393 : i32
      %convert_element_type3A_395 = arith.extui %lt3A_394 : i1 to i32
      %cond3A_396 = arith.constant 0 : i32
      %cond3A_397 = arith.cmpi ne, %convert_element_type3A_395, %cond3A_396 : i32
      scf.if %cond3A_397 {
        %dma_start3A_450 = arith.constant 1 : i32
        %dma_start3A_451 = arith.constant 32 : i32
        %dma_start3A_452 = arith.constant 0 : i32
        %dma_start3A_453 = tpu.memref_slice %arg13[%dma_start3A_451, %dma_start3A_452] : memref<128x128xf32, #tpu.memory_space<vmem>> -> memref<32x128xf32, #tpu.memory_space<vmem>>
        %dma_start3A_454 = arith.constant 32 : i32
        %dma_start3A_455 = tpu.memref_slice %arg10[%dma_start3A_450, %dma_start3A_454] : memref<2x128xi32, #tpu.memory_space<vmem>> -> memref<1x32xi32, #tpu.memory_space<vmem>>
        %dma_start3A_456 = tpu.memref_squeeze %dma_start3A_455 : memref<1x32xi32, #tpu.memory_space<vmem>> -> memref<32xi32, #tpu.memory_space<vmem>>
        %dma_start3A_457 = arith.constant 0 : i32
        %dma_start3A_458 = arith.constant 0 : i32
        %dma_start3A_459 = tpu.memref_slice %arg2[%dma_start3A_457, %dma_start3A_458] : memref<10000x128xf32, #tpu.memory_space<hbm>> -> memref<10000x128xf32, #tpu.memory_space<hbm>>
        tpu.enqueue_indirect_dma source(%dma_start3A_459 : memref<10000x128xf32, #tpu.memory_space<hbm>>) target(%dma_start3A_453 : memref<32x128xf32, #tpu.memory_space<vmem>>) offsets(%dma_start3A_456 : memref<32xi32, #tpu.memory_space<vmem>>) semaphore(%arg16 : memref<!tpu.dma_semaphore, #tpu.memory_space<semaphore_mem>>)
      } else {
      }
      %dma_wait3A_398 = arith.constant 0 : i32
      %dma_wait3A_399 = arith.constant 64 : i32
      %dma_wait3A_400 = arith.constant 0 : i32
      %dma_wait3A_401 = tpu.memref_slice %arg12[%dma_wait3A_399, %dma_wait3A_400] : memref<128x128xf32, #tpu.memory_space<vmem>> -> memref<32x128xf32, #tpu.memory_space<vmem>>
      %dma_wait3A_402 = arith.constant 64 : i32
      %dma_wait3A_403 = tpu.memref_slice %arg10[%dma_wait3A_398, %dma_wait3A_402] : memref<2x128xi32, #tpu.memory_space<vmem>> -> memref<1x32xi32, #tpu.memory_space<vmem>>
      %dma_wait3A_404 = tpu.memref_squeeze %dma_wait3A_403 : memref<1x32xi32, #tpu.memory_space<vmem>> -> memref<32xi32, #tpu.memory_space<vmem>>
      %dma_wait3A_405 = arith.constant 0 : i32
      %dma_wait3A_406 = arith.constant 0 : i32
      %dma_wait3A_407 = tpu.memref_slice %arg2[%dma_wait3A_405, %dma_wait3A_406] : memref<10000x128xf32, #tpu.memory_space<hbm>> -> memref<10000x128xf32, #tpu.memory_space<hbm>>
      tpu.wait_indirect_dma semaphore(%arg15 : memref<!tpu.dma_semaphore, #tpu.memory_space<semaphore_mem>>) src(%dma_wait3A_407 : memref<10000x128xf32, #tpu.memory_space<hbm>>) dst(%dma_wait3A_401 : memref<32x128xf32, #tpu.memory_space<vmem>>)
      %add3A_408 = arith.constant 1 : i32
      %add3A_409 = arith.addi %add3A_356, %add3A_408 : i32
      %lt3A_410 = arith.constant 79 : i32
      %lt3A_411 = arith.cmpi slt, %add3A_409, %lt3A_410 : i32
      %convert_element_type3A_412 = arith.extui %lt3A_411 : i1 to i32
      %cond3A_413 = arith.constant 0 : i32
      %cond3A_414 = arith.cmpi ne, %convert_element_type3A_412, %cond3A_413 : i32
      scf.if %cond3A_414 {
        %dma_start3A_450 = arith.constant 1 : i32
        %dma_start3A_451 = arith.constant 64 : i32
        %dma_start3A_452 = arith.constant 0 : i32
        %dma_start3A_453 = tpu.memref_slice %arg13[%dma_start3A_451, %dma_start3A_452] : memref<128x128xf32, #tpu.memory_space<vmem>> -> memref<32x128xf32, #tpu.memory_space<vmem>>
        %dma_start3A_454 = arith.constant 64 : i32
        %dma_start3A_455 = tpu.memref_slice %arg10[%dma_start3A_450, %dma_start3A_454] : memref<2x128xi32, #tpu.memory_space<vmem>> -> memref<1x32xi32, #tpu.memory_space<vmem>>
        %dma_start3A_456 = tpu.memref_squeeze %dma_start3A_455 : memref<1x32xi32, #tpu.memory_space<vmem>> -> memref<32xi32, #tpu.memory_space<vmem>>
        %dma_start3A_457 = arith.constant 0 : i32
        %dma_start3A_458 = arith.constant 0 : i32
        %dma_start3A_459 = tpu.memref_slice %arg2[%dma_start3A_457, %dma_start3A_458] : memref<10000x128xf32, #tpu.memory_space<hbm>> -> memref<10000x128xf32, #tpu.memory_space<hbm>>
        tpu.enqueue_indirect_dma source(%dma_start3A_459 : memref<10000x128xf32, #tpu.memory_space<hbm>>) target(%dma_start3A_453 : memref<32x128xf32, #tpu.memory_space<vmem>>) offsets(%dma_start3A_456 : memref<32xi32, #tpu.memory_space<vmem>>) semaphore(%arg16 : memref<!tpu.dma_semaphore, #tpu.memory_space<semaphore_mem>>)
      } else {
      }
      %dma_wait3A_415 = arith.constant 0 : i32
      %dma_wait3A_416 = arith.constant 96 : i32
      %dma_wait3A_417 = arith.constant 0 : i32
      %dma_wait3A_418 = tpu.memref_slice %arg12[%dma_wait3A_416, %dma_wait3A_417] : memref<128x128xf32, #tpu.memory_space<vmem>> -> memref<32x128xf32, #tpu.memory_space<vmem>>
      %dma_wait3A_419 = arith.constant 96 : i32
      %dma_wait3A_420 = tpu.memref_slice %arg10[%dma_wait3A_415, %dma_wait3A_419] : memref<2x128xi32, #tpu.memory_space<vmem>> -> memref<1x32xi32, #tpu.memory_space<vmem>>
      %dma_wait3A_421 = tpu.memref_squeeze %dma_wait3A_420 : memref<1x32xi32, #tpu.memory_space<vmem>> -> memref<32xi32, #tpu.memory_space<vmem>>
      %dma_wait3A_422 = arith.constant 0 : i32
      %dma_wait3A_423 = arith.constant 0 : i32
      %dma_wait3A_424 = tpu.memref_slice %arg2[%dma_wait3A_422, %dma_wait3A_423] : memref<10000x128xf32, #tpu.memory_space<hbm>> -> memref<10000x128xf32, #tpu.memory_space<hbm>>
      tpu.wait_indirect_dma semaphore(%arg15 : memref<!tpu.dma_semaphore, #tpu.memory_space<semaphore_mem>>) src(%dma_wait3A_424 : memref<10000x128xf32, #tpu.memory_space<hbm>>) dst(%dma_wait3A_418 : memref<32x128xf32, #tpu.memory_space<vmem>>)
      %add3A_425 = arith.constant 1 : i32
      %add3A_426 = arith.addi %add3A_356, %add3A_425 : i32
      %lt3A_427 = arith.constant 79 : i32
      %lt3A_428 = arith.cmpi slt, %add3A_426, %lt3A_427 : i32
      %convert_element_type3A_429 = arith.extui %lt3A_428 : i1 to i32
      %cond3A_430 = arith.constant 0 : i32
      %cond3A_431 = arith.cmpi ne, %convert_element_type3A_429, %cond3A_430 : i32
      scf.if %cond3A_431 {
        %dma_start3A_450 = arith.constant 1 : i32
        %dma_start3A_451 = arith.constant 96 : i32
        %dma_start3A_452 = arith.constant 0 : i32
        %dma_start3A_453 = tpu.memref_slice %arg13[%dma_start3A_451, %dma_start3A_452] : memref<128x128xf32, #tpu.memory_space<vmem>> -> memref<32x128xf32, #tpu.memory_space<vmem>>
        %dma_start3A_454 = arith.constant 96 : i32
        %dma_start3A_455 = tpu.memref_slice %arg10[%dma_start3A_450, %dma_start3A_454] : memref<2x128xi32, #tpu.memory_space<vmem>> -> memref<1x32xi32, #tpu.memory_space<vmem>>
        %dma_start3A_456 = tpu.memref_squeeze %dma_start3A_455 : memref<1x32xi32, #tpu.memory_space<vmem>> -> memref<32xi32, #tpu.memory_space<vmem>>
        %dma_start3A_457 = arith.constant 0 : i32
        %dma_start3A_458 = arith.constant 0 : i32
        %dma_start3A_459 = tpu.memref_slice %arg2[%dma_start3A_457, %dma_start3A_458] : memref<10000x128xf32, #tpu.memory_space<hbm>> -> memref<10000x128xf32, #tpu.memory_space<hbm>>
        tpu.enqueue_indirect_dma source(%dma_start3A_459 : memref<10000x128xf32, #tpu.memory_space<hbm>>) target(%dma_start3A_453 : memref<32x128xf32, #tpu.memory_space<vmem>>) offsets(%dma_start3A_456 : memref<32xi32, #tpu.memory_space<vmem>>) semaphore(%arg16 : memref<!tpu.dma_semaphore, #tpu.memory_space<semaphore_mem>>)
      } else {
      }
      %add3A_432 = arith.constant 2 : i32
      %add3A_433 = arith.addi %add3A_356, %add3A_432 : i32
      %lt3A_434 = arith.constant 79 : i32
      %lt3A_435 = arith.cmpi slt, %add3A_433, %lt3A_434 : i32
      %convert_element_type3A_436 = arith.extui %lt3A_435 : i1 to i32
      %cond3A_437 = arith.constant 0 : i32
      %cond3A_438 = arith.cmpi ne, %convert_element_type3A_436, %cond3A_437 : i32
      scf.if %cond3A_438 {
        %add3A_450 = arith.constant 2 : i32
        %add3A_451 = arith.addi %add3A_356, %add3A_450 : i32
        %dma_start3A_452 = arith.constant 0 : i32
        %dma_start3A_453 = arith.constant 0 : i32
        %dma_start3A_454 = tpu.memref_slice %arg10[%dma_start3A_452, %dma_start3A_453] : memref<2x128xi32, #tpu.memory_space<vmem>> -> memref<1x128xi32, #tpu.memory_space<vmem>>
        %dma_start3A_455 = tpu.memref_squeeze %dma_start3A_454 : memref<1x128xi32, #tpu.memory_space<vmem>> -> memref<128xi32, #tpu.memory_space<vmem>>
        %dma_start3A_456 = arith.constant 0 : i32
        %dma_start3A_457 = tpu.memref_slice %arg3[%add3A, %add3A_451, %dma_start3A_456] : memref<32x79x128xi32, #tpu.memory_space<hbm>> -> memref<1x1x128xi32, #tpu.memory_space<hbm>>
        %dma_start3A_458 = tpu.memref_squeeze %dma_start3A_457 : memref<1x1x128xi32, #tpu.memory_space<hbm>> -> memref<128xi32, #tpu.memory_space<hbm>>
        %dma_start3A_459 = arith.constant 0 : i32
        %dma_start3A_460 = tpu.memref_slice %arg10[%dma_start3A_452, %dma_start3A_459] : memref<2x128xi32, #tpu.memory_space<vmem>> -> memref<1x128xi32, #tpu.memory_space<vmem>>
        %dma_start3A_461 = tpu.memref_squeeze %dma_start3A_460 : memref<1x128xi32, #tpu.memory_space<vmem>> -> memref<128xi32, #tpu.memory_space<vmem>>
        %dma_start3A_462 = arith.constant 0 : i32
        %dma_start3A_463 = tpu.memref_slice %arg3[%add3A, %add3A_451, %dma_start3A_462] : memref<32x79x128xi32, #tpu.memory_space<hbm>> -> memref<1x1x128xi32, #tpu.memory_space<hbm>>
        %dma_start3A_464 = tpu.memref_squeeze %dma_start3A_463 : memref<1x1x128xi32, #tpu.memory_space<hbm>> -> memref<128xi32, #tpu.memory_space<hbm>>
        tpu.enqueue_dma source(%dma_start3A_464 : memref<128xi32, #tpu.memory_space<hbm>>) target(%dma_start3A_461 : memref<128xi32, #tpu.memory_space<vmem>>) target_semaphore(%arg17 : memref<!tpu.dma_semaphore, #tpu.memory_space<semaphore_mem>>)
      } else {
      }
      %dma_start3A_439 = arith.constant 0 : i32
      %dma_start3A_440 = tpu.memref_slice %arg11[%add3A_356, %dma_start3A_439] : memref<79x128xi32, #tpu.memory_space<vmem>> -> memref<1x128xi32, #tpu.memory_space<vmem>>
      %dma_start3A_441 = tpu.memref_squeeze %dma_start3A_440 : memref<1x128xi32, #tpu.memory_space<vmem>> -> memref<128xi32, #tpu.memory_space<vmem>>
      %dma_start3A_442 = arith.constant 0 : i32
      %dma_start3A_443 = arith.constant 0 : i32
      %dma_start3A_444 = tpu.memref_slice %arg21[%dma_start3A_442, %dma_start3A_443] : memref<10240x128xf32, #tpu.memory_space<vmem_shared>> -> memref<10240x128xf32, #tpu.memory_space<vmem_shared>>
      tpu.enqueue_indirect_dma source(%arg12 : memref<128x128xf32, #tpu.memory_space<vmem>>) target(%dma_start3A_444 : memref<10240x128xf32, #tpu.memory_space<vmem_shared>>) offsets(%dma_start3A_441 : memref<128xi32, #tpu.memory_space<vmem>>) semaphore(%arg18 : memref<!tpu.dma_semaphore, #tpu.memory_space<semaphore_mem>>) {add = true}
      %dma_start3A_445 = arith.constant 0 : i32
      %dma_start3A_446 = tpu.memref_slice %arg11[%add3A_356, %dma_start3A_445] : memref<79x128xi32, #tpu.memory_space<vmem>> -> memref<1x128xi32, #tpu.memory_space<vmem>>
      %dma_start3A_447 = tpu.memref_squeeze %dma_start3A_446 : memref<1x128xi32, #tpu.memory_space<vmem>> -> memref<128xi32, #tpu.memory_space<vmem>>
      %dma_start3A_448 = arith.constant 0 : i32
      %dma_start3A_449 = tpu.memref_slice %arg22[%dma_start3A_448] : memref<10240xf32, #tpu.memory_space<vmem_shared>> -> memref<10240xf32, #tpu.memory_space<vmem_shared>>
      tpu.enqueue_indirect_dma source(%arg14 : memref<128xf32, #tpu.memory_space<vmem>>) target(%dma_start3A_449 : memref<10240xf32, #tpu.memory_space<vmem_shared>>) offsets(%dma_start3A_447 : memref<128xi32, #tpu.memory_space<vmem>>) semaphore(%arg20 : memref<!tpu.dma_semaphore, #tpu.memory_space<semaphore_mem>>) {add = true}
    }
    %scan3A_227 = arith.constant 39 : i32
    %dma_wait3A_228 = arith.constant 0 : i32
    %dma_wait3A_229 = arith.constant 0 : i32
    %dma_wait3A_230 = tpu.memref_slice %arg11[%dma_wait3A_228, %dma_wait3A_229] : memref<79x128xi32, #tpu.memory_space<vmem>> -> memref<1x128xi32, #tpu.memory_space<vmem>>
    %dma_wait3A_231 = tpu.memref_squeeze %dma_wait3A_230 : memref<1x128xi32, #tpu.memory_space<vmem>> -> memref<128xi32, #tpu.memory_space<vmem>>
    %dma_wait3A_232 = arith.constant 0 : i32
    %dma_wait3A_233 = arith.constant 0 : i32
    %dma_wait3A_234 = tpu.memref_slice %arg21[%dma_wait3A_232, %dma_wait3A_233] : memref<10240x128xf32, #tpu.memory_space<vmem_shared>> -> memref<10240x128xf32, #tpu.memory_space<vmem_shared>>
    tpu.wait_indirect_dma semaphore(%arg18 : memref<!tpu.dma_semaphore, #tpu.memory_space<semaphore_mem>>) src(%arg12 : memref<128x128xf32, #tpu.memory_space<vmem>>) dst(%dma_wait3A_234 : memref<10240x128xf32, #tpu.memory_space<vmem_shared>>)
    %dma_wait3A_235 = arith.constant 0 : i32
    %dma_wait3A_236 = arith.constant 0 : i32
    %dma_wait3A_237 = tpu.memref_slice %arg11[%dma_wait3A_235, %dma_wait3A_236] : memref<79x128xi32, #tpu.memory_space<vmem>> -> memref<1x128xi32, #tpu.memory_space<vmem>>
    %dma_wait3A_238 = tpu.memref_squeeze %dma_wait3A_237 : memref<1x128xi32, #tpu.memory_space<vmem>> -> memref<128xi32, #tpu.memory_space<vmem>>
    %dma_wait3A_239 = arith.constant 0 : i32
    %dma_wait3A_240 = arith.constant 0 : i32
    %dma_wait3A_241 = tpu.memref_slice %arg21[%dma_wait3A_239, %dma_wait3A_240] : memref<10240x128xf32, #tpu.memory_space<vmem_shared>> -> memref<10240x128xf32, #tpu.memory_space<vmem_shared>>
    tpu.wait_indirect_dma semaphore(%arg19 : memref<!tpu.dma_semaphore, #tpu.memory_space<semaphore_mem>>) src(%arg13 : memref<128x128xf32, #tpu.memory_space<vmem>>) dst(%dma_wait3A_241 : memref<10240x128xf32, #tpu.memory_space<vmem_shared>>)
    %scan3A_242 = arith.constant 0 : i32
    %scan3A_243 = arith.constant 0 : i32
    %scan3A_244 = arith.constant 79 : i32
    %scan3A_245 = arith.addi %scan3A_243, %scan3A_244 : i32
    %scan3A_246 = arith.constant 1 : i32
    scf.for %scan3A_256 = %scan3A_243 to %scan3A_245 step %scan3A_246  : i32 {
      %dma_wait3A_257 = arith.constant 0 : i32
      %dma_wait3A_258 = arith.constant 0 : i32
      %dma_wait3A_259 = tpu.memref_slice %arg11[%dma_wait3A_257, %dma_wait3A_258] : memref<79x128xi32, #tpu.memory_space<vmem>> -> memref<1x128xi32, #tpu.memory_space<vmem>>
      %dma_wait3A_260 = tpu.memref_squeeze %dma_wait3A_259 : memref<1x128xi32, #tpu.memory_space<vmem>> -> memref<128xi32, #tpu.memory_space<vmem>>
      %dma_wait3A_261 = arith.constant 0 : i32
      %dma_wait3A_262 = tpu.memref_slice %arg22[%dma_wait3A_261] : memref<10240xf32, #tpu.memory_space<vmem_shared>> -> memref<10240xf32, #tpu.memory_space<vmem_shared>>
      tpu.wait_indirect_dma semaphore(%arg20 : memref<!tpu.dma_semaphore, #tpu.memory_space<semaphore_mem>>) src(%arg14 : memref<128xf32, #tpu.memory_space<vmem>>) dst(%dma_wait3A_262 : memref<10240xf32, #tpu.memory_space<vmem_shared>>)
    }
    %scan3A_247 = arith.constant 79 : i32
    %barrier3A_248 = arith.constant 0 : index
    tpu.barrier barrier_id(%barrier3A_248)
    "tpu.region"() ({
      %run_scoped3A_256 = tpu.sem_alloc : memref<!tpu.dma_semaphore, #tpu.memory_space<semaphore_mem>>
      %dma_start3A_257 = arith.constant 0 : i32
      %dma_start3A_258 = tpu.memref_slice %arg7[%arg0, %mul3A_2, %dma_start3A_257] : memref<2x10240x128xf32, #tpu.memory_space<hbm>> -> memref<1x640x128xf32, #tpu.memory_space<hbm>>
      %dma_start3A_259 = tpu.memref_squeeze %dma_start3A_258 : memref<1x640x128xf32, #tpu.memory_space<hbm>> -> memref<640x128xf32, #tpu.memory_space<hbm>>
      %dma_start3A_260 = arith.constant 0 : i32
      %dma_start3A_261 = tpu.memref_slice %arg21[%mul3A_2, %dma_start3A_260] : memref<10240x128xf32, #tpu.memory_space<vmem_shared>> -> memref<640x128xf32, #tpu.memory_space<vmem_shared>>
      tpu.enqueue_dma source(%dma_start3A_261 : memref<640x128xf32, #tpu.memory_space<vmem_shared>>) target(%dma_start3A_259 : memref<640x128xf32, #tpu.memory_space<hbm>>) target_semaphore(%run_scoped3A_256 : memref<!tpu.dma_semaphore, #tpu.memory_space<semaphore_mem>>)
      %dma_wait3A_262 = arith.constant 0 : i32
      %dma_wait3A_263 = tpu.memref_slice %arg7[%arg0, %mul3A_2, %dma_wait3A_262] : memref<2x10240x128xf32, #tpu.memory_space<hbm>> -> memref<1x640x128xf32, #tpu.memory_space<hbm>>
      %dma_wait3A_264 = tpu.memref_squeeze %dma_wait3A_263 : memref<1x640x128xf32, #tpu.memory_space<hbm>> -> memref<640x128xf32, #tpu.memory_space<hbm>>
      %dma_wait3A_265 = arith.constant 0 : i32
      %dma_wait3A_266 = tpu.memref_slice %arg21[%mul3A_2, %dma_wait3A_265] : memref<10240x128xf32, #tpu.memory_space<vmem_shared>> -> memref<640x128xf32, #tpu.memory_space<vmem_shared>>
      tpu.wait_dma2 semaphore(%run_scoped3A_256 : memref<!tpu.dma_semaphore, #tpu.memory_space<semaphore_mem>>) src(%dma_wait3A_266 : memref<640x128xf32, #tpu.memory_space<vmem_shared>>) dst(%dma_wait3A_264 : memref<640x128xf32, #tpu.memory_space<hbm>>)
      tpu.yield
    }) : () -> ()
    %eq3A = arith.constant 0 : i32
    %eq3A_249 = arith.cmpi eq, %arg0, %eq3A : i32
    %convert_element_type3A = arith.extui %eq3A_249 : i1 to i32
    %cond3A = arith.constant 0 : i32
    %cond3A_250 = arith.cmpi ne, %convert_element_type3A, %cond3A : i32
    scf.if %cond3A_250 {
      "tpu.region"() ({
        %run_scoped3A_256 = tpu.sem_alloc : memref<!tpu.dma_semaphore, #tpu.memory_space<semaphore_mem>>
        %dma_start3A_257 = tpu.memref_slice %arg8[%mul3A_2] : memref<10240xf32, #tpu.memory_space<hbm>> -> memref<640xf32, #tpu.memory_space<hbm>>
        %dma_start3A_258 = tpu.memref_slice %arg22[%mul3A_2] : memref<10240xf32, #tpu.memory_space<vmem_shared>> -> memref<640xf32, #tpu.memory_space<vmem_shared>>
        tpu.enqueue_dma source(%dma_start3A_258 : memref<640xf32, #tpu.memory_space<vmem_shared>>) target(%dma_start3A_257 : memref<640xf32, #tpu.memory_space<hbm>>) target_semaphore(%run_scoped3A_256 : memref<!tpu.dma_semaphore, #tpu.memory_space<semaphore_mem>>)
        %dma_wait3A_259 = tpu.memref_slice %arg8[%mul3A_2] : memref<10240xf32, #tpu.memory_space<hbm>> -> memref<640xf32, #tpu.memory_space<hbm>>
        %dma_wait3A_260 = tpu.memref_slice %arg22[%mul3A_2] : memref<10240xf32, #tpu.memory_space<vmem_shared>> -> memref<640xf32, #tpu.memory_space<vmem_shared>>
        tpu.wait_dma2 semaphore(%run_scoped3A_256 : memref<!tpu.dma_semaphore, #tpu.memory_space<semaphore_mem>>) src(%dma_wait3A_260 : memref<640xf32, #tpu.memory_space<vmem_shared>>) dst(%dma_wait3A_259 : memref<640xf32, #tpu.memory_space<hbm>>)
        tpu.yield
      }) : () -> ()
    } else {
    }
    %eq3A_251 = arith.constant 1 : i32
    %eq3A_252 = arith.cmpi eq, %arg0, %eq3A_251 : i32
    %convert_element_type3A_253 = arith.extui %eq3A_252 : i1 to i32
    %cond3A_254 = arith.constant 0 : i32
    %cond3A_255 = arith.cmpi ne, %convert_element_type3A_253, %cond3A_254 : i32
    scf.if %cond3A_255 {
      "tpu.region"() ({
        %run_scoped3A_256 = tpu.sem_alloc : memref<!tpu.dma_semaphore, #tpu.memory_space<semaphore_mem>>
        %dma_start3A_257 = tpu.memref_slice %arg9[%mul3A_2] : memref<10240xf32, #tpu.memory_space<hbm>> -> memref<640xf32, #tpu.memory_space<hbm>>
        %dma_start3A_258 = tpu.memref_slice %arg22[%mul3A_2] : memref<10240xf32, #tpu.memory_space<vmem_shared>> -> memref<640xf32, #tpu.memory_space<vmem_shared>>
        tpu.enqueue_dma source(%dma_start3A_258 : memref<640xf32, #tpu.memory_space<vmem_shared>>) target(%dma_start3A_257 : memref<640xf32, #tpu.memory_space<hbm>>) target_semaphore(%run_scoped3A_256 : memref<!tpu.dma_semaphore, #tpu.memory_space<semaphore_mem>>)
        %dma_wait3A_259 = tpu.memref_slice %arg9[%mul3A_2] : memref<10240xf32, #tpu.memory_space<hbm>> -> memref<640xf32, #tpu.memory_space<hbm>>
        %dma_wait3A_260 = tpu.memref_slice %arg22[%mul3A_2] : memref<10240xf32, #tpu.memory_space<vmem_shared>> -> memref<640xf32, #tpu.memory_space<vmem_shared>>
        tpu.wait_dma2 semaphore(%run_scoped3A_256 : memref<!tpu.dma_semaphore, #tpu.memory_space<semaphore_mem>>) src(%dma_wait3A_260 : memref<640xf32, #tpu.memory_space<vmem_shared>>) dst(%dma_wait3A_259 : memref<640xf32, #tpu.memory_space<hbm>>)
        tpu.yield
      }) : () -> ()
    } else {
    }
    return
  }
}

module attributes {stable_mosaic.version = 14 : i64} {
  func.func @body(%arg0: i32, %arg1: memref<1x1000x128xf32, #tpu.memory_space<vmem>>, %arg2: memref<1x1000x128xf32, #tpu.memory_space<vmem>>, %arg3: memref<1000x1xf32, #tpu.memory_space<vmem>>, %arg4: memref<1000x1xf32, #tpu.memory_space<vmem>>, %arg5: memref<1000x128xf32, #tpu.memory_space<vmem>>, %arg6: memref<128x128xf32, #tpu.memory_space<vmem>>, %arg7: memref<128x128xf32, #tpu.memory_space<vmem>>, %arg8: memref<1x128xf32, #tpu.memory_space<vmem>>, %arg9: memref<1000x128xf32, #tpu.memory_space<vmem>>) attributes {dimension_semantics = [#tpu.dimension_semantics<arbitrary>], iteration_bounds = array<i64: 10>, scalar_prefetch = 0 : i64, scratch_operands = 0 : i64, tpu.core_type = #tpu.core_type<tc>, window_params = [{transform_indices = @transform_0, window_bounds = array<i64: 1, 1000, 128>}, {transform_indices = @transform_1, window_bounds = array<i64: 1, 1000, 128>}, {transform_indices = @transform_2, window_bounds = array<i64: 1000, 1>}, {transform_indices = @transform_3, window_bounds = array<i64: 1000, 1>}, {transform_indices = @transform_4, window_bounds = array<i64: 1000, 128>}, {pipeline_mode = #tpu.pipeline_mode<synchronous>, transform_indices = @transform_5, window_bounds = array<i64: 128, 128>}, {pipeline_mode = #tpu.pipeline_mode<synchronous>, transform_indices = @transform_6, window_bounds = array<i64: 128, 128>}, {pipeline_mode = #tpu.pipeline_mode<synchronous>, transform_indices = @transform_7, window_bounds = array<i64: 1, 128>}, {transform_indices = @transform_8, window_bounds = array<i64: 1000, 128>}]} {
    %get3A = arith.constant 0 : index
    %get3A_0 = arith.constant 0 : index
    %get3A_1 = vector.load %arg3[%get3A, %get3A_0] : memref<1000x1xf32, #tpu.memory_space<vmem>>, vector<1000x1xf32>
    %get3A_2 = arith.constant 0 : index
    %get3A_3 = arith.constant 0 : index
    %get3A_4 = vector.load %arg4[%get3A_2, %get3A_3] : memref<1000x1xf32, #tpu.memory_space<vmem>>, vector<1000x1xf32>
    %add3A = arith.addf %get3A_1, %get3A_4 : vector<1000x1xf32>
    %max3A = arith.constant 1.000000e+00 : f32
    %max3A_5 = vector.broadcast %max3A : f32 to vector<1000x1xf32>
    %max3A_6 = arith.maximumf %add3A, %max3A_5 : vector<1000x1xf32>
    %get3A_7 = arith.constant 0 : index
    %get3A_8 = arith.constant 0 : index
    %get3A_9 = arith.constant 0 : index
    %get3A_10 = vector.load %arg1[%get3A_7, %get3A_8, %get3A_9] : memref<1x1000x128xf32, #tpu.memory_space<vmem>>, vector<1x1000x128xf32>
    %get3A_11 = vector.shape_cast %get3A_10 : vector<1x1000x128xf32> to vector<1000x128xf32>
    %get3A_12 = arith.constant 0 : index
    %get3A_13 = arith.constant 0 : index
    %get3A_14 = arith.constant 0 : index
    %get3A_15 = vector.load %arg2[%get3A_12, %get3A_13, %get3A_14] : memref<1x1000x128xf32, #tpu.memory_space<vmem>>, vector<1x1000x128xf32>
    %get3A_16 = vector.shape_cast %get3A_15 : vector<1x1000x128xf32> to vector<1000x128xf32>
    %add3A_17 = arith.addf %get3A_11, %get3A_16 : vector<1000x128xf32>
    %div3A = vector.broadcast %max3A_6 : vector<1000x1xf32> to vector<1000x128xf32>
    %div3A_18 = arith.divf %add3A_17, %div3A : vector<1000x128xf32>
    %get3A_19 = arith.constant 0 : index
    %get3A_20 = arith.constant 0 : index
    %get3A_21 = vector.load %arg6[%get3A_19, %get3A_20] : memref<128x128xf32, #tpu.memory_space<vmem>>, vector<128x128xf32>
    %dot_general3A = arith.constant dense<0.000000e+00> : vector<1000x128xf32>
    %dot_general3A_22 = tpu.matmul %div3A_18, %get3A_21, %dot_general3A {dimension_numbers = #tpu.dot_dimension_numbers<[1], [0], [0], [1], [0, 0, 1, 1], [], []>, transpose_lhs_hint = false} : vector<1000x128xf32>, vector<128x128xf32>, vector<1000x128xf32> -> vector<1000x128xf32>
    %get3A_23 = arith.constant 0 : index
    %get3A_24 = arith.constant 0 : index
    %get3A_25 = vector.load %arg5[%get3A_23, %get3A_24] : memref<1000x128xf32, #tpu.memory_space<vmem>>, vector<1000x128xf32>
    %get3A_26 = arith.constant 0 : index
    %get3A_27 = arith.constant 0 : index
    %get3A_28 = vector.load %arg7[%get3A_26, %get3A_27] : memref<128x128xf32, #tpu.memory_space<vmem>>, vector<128x128xf32>
    %dot_general3A_29 = arith.constant dense<0.000000e+00> : vector<1000x128xf32>
    %dot_general3A_30 = tpu.matmul %get3A_25, %get3A_28, %dot_general3A_29 {dimension_numbers = #tpu.dot_dimension_numbers<[1], [0], [0], [1], [0, 0, 1, 1], [], []>, transpose_lhs_hint = false} : vector<1000x128xf32>, vector<128x128xf32>, vector<1000x128xf32> -> vector<1000x128xf32>
    %add3A_31 = arith.addf %dot_general3A_22, %dot_general3A_30 : vector<1000x128xf32>
    %get3A_32 = arith.constant 0 : index
    %get3A_33 = arith.constant 0 : index
    %get3A_34 = vector.load %arg8[%get3A_32, %get3A_33] : memref<1x128xf32, #tpu.memory_space<vmem>>, vector<1x128xf32>
    %add3A_35 = vector.broadcast %get3A_34 : vector<1x128xf32> to vector<1000x128xf32>
    %add3A_36 = arith.addf %add3A_31, %add3A_35 : vector<1000x128xf32>
    %swap3A = arith.constant 0 : index
    %swap3A_37 = arith.constant 0 : index
    %swap3A_38 = vector.load %arg9[%swap3A, %swap3A_37] : memref<1000x128xf32, #tpu.memory_space<vmem>>, vector<1000x128xf32>
    tpu.vector_store %arg9[%swap3A, %swap3A_37], %add3A_36 {strides = array<i32>} : memref<1000x128xf32, #tpu.memory_space<vmem>>, vector<1000x128xf32>,
    return
  }
  func.func @transform_0(%arg0: i32) -> (i32, i32, i32) {
    %c0_i32 = arith.constant 0 : i32
    %c0_i32_0 = arith.constant 0 : i32
    %c0_i32_1 = arith.constant 0 : i32
    return %c0_i32, %arg0, %c0_i32_0 : i32, i32, i32
  }
  func.func @transform_1(%arg0: i32) -> (i32, i32, i32) {
    %c1_i32 = arith.constant 1 : i32
    %c0_i32 = arith.constant 0 : i32
    %c0_i32_0 = arith.constant 0 : i32
    return %c1_i32, %arg0, %c0_i32 : i32, i32, i32
  }
  func.func @transform_2(%arg0: i32) -> (i32, i32) {
    %c0_i32 = arith.constant 0 : i32
    %c0_i32_0 = arith.constant 0 : i32
    return %arg0, %c0_i32 : i32, i32
  }
  func.func @transform_3(%arg0: i32) -> (i32, i32) {
    %c0_i32 = arith.constant 0 : i32
    %c0_i32_0 = arith.constant 0 : i32
    return %arg0, %c0_i32 : i32, i32
  }
  func.func @transform_4(%arg0: i32) -> (i32, i32) {
    %c0_i32 = arith.constant 0 : i32
    %c0_i32_0 = arith.constant 0 : i32
    return %arg0, %c0_i32 : i32, i32
  }
  func.func @transform_5(%arg0: i32) -> (i32, i32) {
    %c0_i32 = arith.constant 0 : i32
    %c0_i32_0 = arith.constant 0 : i32
    %c0_i32_1 = arith.constant 0 : i32
    return %c0_i32, %c0_i32_0 : i32, i32
  }
  func.func @transform_6(%arg0: i32) -> (i32, i32) {
    %c0_i32 = arith.constant 0 : i32
    %c0_i32_0 = arith.constant 0 : i32
    %c0_i32_1 = arith.constant 0 : i32
    return %c0_i32, %c0_i32_0 : i32, i32
  }
  func.func @transform_7(%arg0: i32) -> (i32, i32) {
    %c0_i32 = arith.constant 0 : i32
    %c0_i32_0 = arith.constant 0 : i32
    %c0_i32_1 = arith.constant 0 : i32
    return %c0_i32, %c0_i32_0 : i32, i32
  }
  func.func @transform_8(%arg0: i32) -> (i32, i32) {
    %c0_i32 = arith.constant 0 : i32
    %c0_i32_0 = arith.constant 0 : i32
    return %arg0, %c0_i32 : i32, i32
  }
}

</mosaic_0001>

<sc_bundles>
// kernel: kernel.4.cloned.1.call-start
scs
__scs_entry_jumppad:
0x0: {  	(pc) =	sbr.rel $0x88, $3  }
0x1: {  	(tag) =	ssettag $0x0;
	lr =	simm.s32 $0x1  }
0x2: {  	[smem:$0x3F9D] =	sst lr;
	_ =	strace $0xD0000000  }
0x3: {  	_ = 	snop  }
0x4: {  	_ = 	snop  }
0x5: {  	_ = 	snop  }
0x6: {  	_ = 	snop  }
0x7: {  	_ = 	snop  }
__scs_overlays_trampoline_lowered:
0x8: {  	[smem:$0x3FAC] =	sst s0  }
0x9: {  	[smem:$0x3FAD] =	sst s1  }
0xa: {  	[smem:$0x3FAE] =	sst s2  }
0xb: {  	[smem:$0x3FAF] =	sst s3  }
0xc: {  	[smem:$0x3FB0] =	sst s4  }
0xd: {  	[smem:$0x3FB1] =	sst s5  }
0xe: {  	[smem:$0x3FB2] =	sst s6  }
0xf: {  	[smem:$0x3FB3] =	sst s7  }
0x10: {  	[smem:$0x3FB4] =	sst s8  }
0x11: {  	[smem:$0x3FB5] =	sst s9;
	s0 =	simm.s32 @!p0 $0x0  }
0x12: {  	s1 =	sld [smem:$0x3F9B];
	s0 =	simm.s32 @p0 $0x1  }
0x13: {  	[smem:$0x3FB6] =	sst s0;
	s0 =	simm.s32 @!p1 $0x0  }
0x14: {  	s2 =	sld [smem:$0x3F9A];
	s0 =	simm.s32 @p1 $0x1  }
0x15: {  	[smem:$0x3FB7] =	sst s0;
	s0 =	simm.s32 @!p2 $0x0  }
0x16: {  	s3 =	sld [smem:$0x3FDB];
	s0 =	simm.s32 @p2 $0x1  }
0x17: {  	s4 =	simm.s32 $0x1BF5;
	[smem:$0x3FB9] =	sst s0  }
0x18: {  	s0 =	sld [smem:$0x3F9C];
	_ =	swait.ge [sflag:s4], $0x0  }
0x19: {  	s7 =	sld [smem:$0x3F9D]  }
0x1a: {  	s8 =	sadd.s32 $0xFFFFE003, lr  }
0x1b: {  	s9 =	sadd.s32 $0xFFFFFEF7, lr;
	s5 =	simm.s32 $0xFFFFFFFF;
	p2 =	slt.u32 s8, $0xFFFFF086  }
0x1c: {  	p1 =	slt.u32 s9, $0xF7A;
	s5 =	simm.s32 @!p2 $0x0  }
0x1d: {  	s5 =	simm.s32 @p1 $0x1;
	p0 =	seq.s32 s7, s2  }
0x1e: {  	s7 =	smul.u32 @!p0 $0xF7A, s2;
	p2 =	seq.s32 @!p0 s5, $0x0  }
0x1f: {  	s9 =	smul.u32 $0xF7A, s1;
	s8 =	simm.s32 @!p0 $0x1BF5;
	p2 =	por !p2, p0  }
0x20: {  	[sflag:s8] =	ssyncset.s32 @!p0 $0xFFFFF086;
	s6 =	sadd.s32 @!p0 s3, s7;
	s7 =	simm.s32 @!p0 $0x108  }
0x21: {  	s3 =	sadd.s32 s3, s9;
	s6 =	sadd.s32 @!p0 $0x88, s6;
	s7 =	simm.s32 @p2 $0x1082  }
0x22: {  	[simem:s7], [sflag:s8] =	dma.local @!p0 [hbm:s6], $0xF7A  }
0x23: {  	s9 =	sor.u32 $0xD0000000, s2;
	s6 =	simm.s32 $0x108;
	_ =	swait.ge @!p0 [sflag:s8], $0x0  }
0x24: {  	s3 =	sadd.s32 $0x88, s3;
	s6 =	simm.s32 @!p1 $0x1082;
	[sflag:s4] =	ssyncset.s32 $0xFFFFF086  }
0x25: {  	[simem:s6], [sflag:s4] =	dma.local [hbm:s3], $0xF7A  }
0x26: {  	[smem:$0x3F9D] =	sst s1;
	(tag) =	ssettag s2;
	_ =	strace s9  }
0x27: {  	s1 =	sld [smem:$0x3FAD]  }
0x28: {  	s2 =	sld [smem:$0x3FAE]  }
0x29: {  	s4 =	sld [smem:$0x3FB0]  }
0x2a: {  	p0 =	seq.s32 s5, $0x0;
	s5 =	sld [smem:$0x3FB1]  }
0x2b: {  	s6 =	sld [smem:$0x3FB2]  }
0x2c: {  	s7 =	sld [smem:$0x3FB3]  }
0x2d: {  	s3 =	simm.s32 $0x108;
	s8 =	sld [smem:$0x3FB4]  }
0x2e: {  	s3 =	simm.s32 @!p0 $0x1082;
	s9 =	sld [smem:$0x3FB5]  }
0x2f: {  	lr =	sadd.s32 s0, s3;
	s0 =	sld [smem:$0x3FAC]  }
0x30: {  	s3 =	sld [smem:$0x3FAF]  }
0x31: {  	[smem:$0x3FB8] =	sst s10  }
0x32: {  	s10 =	sld [smem:$0x3FB6];
	_ =	sdelay $0x3  }
0x33: {  	p0 =	seq.s32 s10, $0x1;
	s10 =	sld [smem:$0x3FB8];
	_ =	sdelay $0x3  }
0x34: {  	[smem:$0x3FB8] =	sst s10  }
0x35: {  	s10 =	sld [smem:$0x3FB7];
	_ =	sdelay $0x3  }
0x36: {  	p1 =	seq.s32 s10, $0x1;
	s10 =	sld [smem:$0x3FB8];
	_ =	sdelay $0x3  }
0x37: {  	[smem:$0x3FB8] =	sst s10  }
0x38: {  	s10 =	sld [smem:$0x3FB9]  }
0x39: {  	_ = 	snop;
	(pc) =	sbr.ind lr, $3  }
0x3a: {  	_ = 	snop  }
0x3b: {  	_ = 	snop  }
0x3c: {  	p2 =	seq.s32 s10, $0x1;
	s10 =	sld [smem:$0x3FB8]  }
0x3d: {  	_ =	shalt  }
0x3e: {  	_ =	shalt  }
0x3f: {  	_ =	shalt  }
0x40: {  	_ =	shalt  }
0x41: {  	_ =	shalt  }
0x42: {  	_ =	shalt  }
0x43: {  	_ =	shalt  }
0x44: {  	_ =	shalt  }
0x45: {  	_ =	shalt  }
0x46: {  	_ =	shalt  }
0x47: {  	_ =	shalt  }
0x48: {  	_ =	shalt  }
0x49: {  	_ =	shalt  }
0x4a: {  	_ =	shalt  }
0x4b: {  	_ =	shalt  }
0x4c: {  	_ =	shalt  }
0x4d: {  	_ =	shalt  }
0x4e: {  	_ =	shalt  }
0x4f: {  	_ =	shalt  }
0x50: {  	_ =	shalt  }
0x51: {  	_ =	shalt  }
0x52: {  	_ =	shalt  }
0x53: {  	_ =	shalt  }
0x54: {  	_ =	shalt  }
0x55: {  	_ =	shalt  }
0x56: {  	_ =	shalt  }
0x57: {  	_ =	shalt  }
0x58: {  	_ =	shalt  }
0x59: {  	_ =	shalt  }
0x5a: {  	_ =	shalt  }
0x5b: {  	_ =	shalt  }
0x5c: {  	_ =	shalt  }
0x5d: {  	_ =	shalt  }
0x5e: {  	_ =	shalt  }
0x5f: {  	_ =	shalt  }
0x60: {  	_ =	shalt  }
0x61: {  	_ =	shalt  }
0x62: {  	_ =	shalt  }
0x63: {  	_ =	shalt  }
0x64: {  	_ =	shalt  }
0x65: {  	_ =	shalt  }
0x66: {  	_ =	shalt  }
0x67: {  	_ =	shalt  }
0x68: {  	_ =	shalt  }
0x69: {  	_ =	shalt  }
0x6a: {  	_ =	shalt  }
0x6b: {  	_ =	shalt  }
0x6c: {  	_ =	shalt  }
0x6d: {  	_ =	shalt  }
0x6e: {  	_ =	shalt  }
0x6f: {  	_ =	shalt  }
0x70: {  	_ =	shalt  }
0x71: {  	_ =	shalt  }
0x72: {  	_ =	shalt  }
0x73: {  	_ =	shalt  }
0x74: {  	_ =	shalt  }
0x75: {  	_ =	shalt  }
0x76: {  	_ =	shalt  }
0x77: {  	_ =	shalt  }
0x78: {  	_ =	shalt  }
0x79: {  	_ =	shalt  }
0x7a: {  	_ =	shalt  }
0x7b: {  	_ =	shalt  }
0x7c: {  	_ =	shalt  }
0x7d: {  	_ =	shalt  }
0x7e: {  	_ =	shalt  }
0x7f: {  	_ =	shalt  }
0x80: {  	_ =	shalt  }
0x81: {  	_ =	shalt  }
0x82: {  	_ =	shalt  }
0x83: {  	_ =	shalt  }
0x84: {  	_ =	shalt  }
0x85: {  	_ =	shalt  }
0x86: {  	_ =	shalt  }
0x87: {  	_ =	shalt  }
.Lfunc_end0:
.L_simem_size_0:
called_computation_lowered:
.L_overlay_start_0:
0x88: {  	s2 =	sld [smem:$0x3FD9]  }
0x89: {  	s3 =	sld [smem:$0x3FFE];
	_ =	sdelay $0x1  }
0x8a: {  	s1 =	srdreg.scid  }
0x8b: {  	s0 =	sand.u32 $0x1, s1  }
0x8c: {  	s17 =	sshll.u32 s0, $0xA;
	s2 =	sadd.s32 s3, s2  }
0x8d: {  	s2 =	sadd.s32 s2, s17  }
0x8e: {  	[smem:$0x3FC4] =	sst s2  }
0x8f: {  	_ = 	snop  }
0x90: {  	s2 =	sld [smem:$0x3FC9]  }
0x91: {  	s18 =	sld [smem:$0x3FD0];
	(tm) =	ssettm $0x1  }
0x92: {  	s4 =	sld [smem:$0x3FFB];
	_ =	sdelay $0x3  }
0x93: {  	_ =	strace s4  }
0x94: {  	s4 =	sld [smem:$0x3FFC];
	_ =	sdelay $0x3  }
0x95: {  	_ =	strace s4  }
0x96: {  	s4 =	sld [smem:$0x3FFD];
	_ =	sdelay $0x3  }
0x97: {  	_ =	strace s4  }
0x98: {  	_ =	strace $0x8FFFFFFF  }
0x99: {  	s19 =	sld [smem:$0x3FDB];
	_ =	sdelay $0x1  }
0x9a: {  	s5 =	simm.s32 $_scs_section_size  }
0x9b: {  	s6 =	simm.s32 $_size__tile_overlayer_lowered;
	s7 =	simm.s32 $_tile_overlayer_lowered  }
0x9c: {  	s22 =	simm.s32 $0x1BFF;
	s21 =	sshll.u32 s7, $0x1;
	s4 =	sadd.s32 s5, s19  }
0x9d: {  	s8 =	simm.s32 $0x0;
	s20 =	sshll.u32 s6, $0x1;
	s6 =	sadd.s32 s21, s4  }
0x9e: {  	[timem:s8], [sflag:s22] =	dma.local [hbm:s6], s20  }
0x9f: {  	_ =	swait.ge [sflag:s22], s20  }
0xa0: {  	s5 =	ssub.s32 $0x0, s20;
	[sflag:s22] =	ssyncset.done $0x0  }
0xa1: {  	[sflag:s22] =	ssyncadd.s32 s5;
	_ =	sdelay $0x1  }
0xa2: {  	s23 =	simm.s32 $0x1B8B  }
0xa3: {  	_ =	swait.ge [sflag:s23], $0x1  }
0xa4: {  	[sflag:s23] =	ssyncset.done $0x0  }
0xa5: {  	s25 =	simm.s32 $0x1B8E;
	s24 =	sld [smem:$0x3FFE];
	[sflag:s23] =	ssyncadd.s32 $0xFFFFFFFF  }
0xa6: {  	s26 =	simm.s32 $execute0_lowered;
	[smem:$0x3FD2] =	sst s25  }
0xa7: {  	s6 =	sshll.u32 s26, $0x1;
	_ =	strace $0x80000046;
	[dreg:$0x1] =	wrdreg $0xFFFFFFFF  }
0xa8: {  	s28 =	simm.s32 $_size_execute0_lowered;
	s4 =	sadd.s32 s4, s6;
	[dreg:$0x0] =	wrdreg $0x0  }
0xa9: {  	s6 =	sshll.u32 s28, $0x1;
	[dreg:$0x2] =	wrdreg s4  }
0xaa: {  	[dreg:$0x3] =	wrdreg s6  }
0xab: {  	[dreg:$0x4] =	wrdreg $0xC0  }
0xac: {  	_ =	task [dreg:s8], $0x5FFFF  }
0xad: {  	[dreg:$0x1] =	wrdreg $0xFFFFFFFF  }
0xae: {  	[dreg:$0x0] =	wrdreg $0x60  }
0xaf: {  	[dreg:$0x2] =	wrdreg s2  }
0xb0: {  	[dreg:$0x3] =	wrdreg s18  }
0xb1: {  	[dreg:$0x4] =	wrdreg s24  }
0xb2: {  	[dreg:$0x5] =	wrdreg $0xA9800  }
0xb3: {  	[dreg:$0x6] =	wrdreg $0x1E9800  }
0xb4: {  	[dreg:$0x7] =	wrdreg $0x9  }
0xb5: {  	_ =	task.clear_ibuf [dreg:s8], $0x8FFFF;
	_ =	strace $0x90000046  }
0xb6: {  	s29 =	simm.s32 $0x9;
	_ =	strace $0x80000048  }
0xb7: {  	_ =	swait.ge [sflag:s29], $0x1  }
0xb8: {  	[sflag:s29] =	ssyncadd.s32 $0xFFFFFFFF  }
0xb9: {  	_ =	strace $0x90000048  }
0xba: {  	_ =	sfence  }
0xbb: {  	s30 =	sld [smem:$0x0];
	_ =	sdelay $0x2  }
0xbc: {  	s31 =	sshll.u32 s1, $0xD;
	s1 =	sshrl.u32 s1, $0x2  }
0xbd: {  	s3 =	sand.u32 $0x4000, s31;
	s1 =	sadd.s32 s1, s30  }
0xbe: {  	s0 =	sor.u32 s3, s0;
	s1 =	sshll.u32 s1, $0x11  }
0xbf: {  	s0 =	sor.u32 s1, s0  }
0xc0: {  	s0 =	sadd.s32 $0x8F2B, s0  }
0xc1: {  	[sflag:s0] =	ssyncadd.remote.s32 $0x1  }
0xc2: {  	_ =	sfence.sel $0xFFFF  }
0xc3: {  	[dreg:$0x0] =	wrdreg $0xFFFFFFFF;
	(pc) =	sbr.abs _section_cstart, $3  }
0xc4: {  	[dreg:$0x1] =	wrdreg $0xFFFFFFFF  }
0xc5: {  	_ =	task.clear_ibuf [dreg:s8], $0x2FFFF;
	_ =	strace $0x9FFFFFFF  }
0xc6: {  	(tm) =	ssettm $0x7FFFFFFF  }
0xc7: {  	_ =	shalt  }
tec
execute0_lowered:
.L_overlay_start_1:
0x0: {  	(tag) =	ssettag $0x1  }
0x1: {  	s0 =	rddreg [dreg:$0x0]  }
0x2: {  	s2 =	rddreg [dreg:$0x1]  }
0x3: {  	s1 =	srdreg.scid;
	s3 =	rddreg [dreg:$0x2]  }
0x4: {  	s15 =	stileid.u32;
	s4 =	rddreg [dreg:$0x3]  }
0x5: {  	s7 =	simm.s32 $0x0;
	s28 =	simm.s32 $0x4900;
	s29 =	simm.s32 $0x60  }
0x6: {  	s30 =	simm.s32 $0x5900;
	s31 =	simm.s32 $0x3;
	s16 =	simm.s32 $0xA900  }
0x7: {  	s17 =	simm.s32 $0x4;
	s18 =	simm.s32 $0x6;
	s9 =	smul.u32 $0x14000, s15  }
0x8: {  	s25 =	simm.s32 $0x0;
	s1 =	sand.u32 $0x1, s1;
	s20 =	smul.u32 $0x50000, s15  }
0x9: {  	[smem:$0x7FF] =	sst s7;
	s12 =	sadd.s32 $0xB200, s3;
	s14 =	smul.u32 $0x280, s15  }
0xa: {  	s13 =	sadd.s32 $0xB000, s3;
	s5 =	sshll.u32 s1, $0x4;
	s8 =	smul.u32 $0x140000, s1  }
0xb: {  	s19 =	ssub.s32 $0x2, s1;
	s6 =	sor.u32 s15, s5;
	s5 =	rddreg [dreg:$0x4]  }
0xc: {  	p0 =	seq.s32 s1, $0x1;
	_ =	strace $0x80000047;
	[dreg:$0x6] =	wrdreg s12  }
0xd: {  	s1 =	simm.s32 $0xE000;
	[dreg:$0x7] =	wrdreg s13;
	s21 =	sshrl.u32 s19, $0x1  }
0xe: {  	s12 =	sshrl.u32 s20, $0x2;
	s15 =	sshll.u32 s15, $0x6;
	s1 =	simm.s32 @!p0 $0xDA00  }
0xf: {  	s24 =	sshrl.u32 s14, $0x3;
	s13 =	simm.s32 $0x8900;
	[dreg:$0x12] =	wrdreg s25  }
0x10: {  	s6 =	smul.u32 $0x2800, s6;
	s8 =	sadd.s32 s9, s8;
	s9 =	ssub.s32 s19, s21  }
0x11: {  	s12 =	sadd.s32 s12, s4;
	s19 =	sor.u32 $0x1C07, s15;
	s22 =	sadd.s32 s14, s5  }
0x12: {  	s1 =	sadd.s32 s1, s3;
	s14 =	simm.s32 $0xE0;
	s15 =	simm.s32 $0x9900  }
0x13: {  	s21 =	simm.s32 $0x5;
	s8 =	sshrl.u32 s8, $0x3;
	s9 =	smax.u32 s9, $0x1  }
0x14: {  	s1 =	sadd.s32 s1, s24;
	s20 =	sshrl.u32 s12, $0x3;
	[dreg:$0x8] =	wrdreg s19  }
0x15: {  	s26 =	sshrl.u32 s22, $0x3;
	s22 =	simm.s32 $0x80;
	[dreg:$0xe] =	wrdreg s9  }
0x16: {  	s24 =	simm.s32 $0x2900;
	s12 =	simm.s32 $0x2;
	[dreg:$0xf] =	wrdreg s1  }
0x17: {  	s10 =	sshrl.u32 s6, $0x3;
	s8 =	sadd.s32 s8, s3;
	[dreg:$0x11] =	wrdreg s26  }
0x18: {  	[dreg:$0x10] =	wrdreg s20;
	s11 =	sadd.s32 s10, s3;
	s10 =	sadd.s32 s2, s10  }
0x19: {  	s1 =	simm.s32 $0x6900;
	s8 =	sadd.s32 $0xE600, s8;
	[dreg:$0xa] =	wrdreg s10  }
0x1a: {  	s9 =	simm.s32 $0x7900;
	s11 =	sadd.s32 $0x1000, s11;
	[dreg:$0xd] =	wrdreg s8  }
0x1b: {  	s3 =	simm.s32 $0x1;
	s23 =	sadd.s32 $0x10, s10;
	[dreg:$0x9] =	wrdreg s11  }
0x1c: {  	s10 =	sadd.s32 $0x20, s10;
	s8 =	simm.s32 $0xA0;
	[dreg:$0xb] =	wrdreg s23  }
0x1d: {  	v0 =	vimm.f32 $1.000000000e+00;
	[dreg:$0xc] =	wrdreg s10;
	s23 =	simm.s32 $0x20;
	s11 =	simm.s32 $0xC0  }
.LBB2_1:
0x1e: {  	s25 =	simm.s32 $0x7;
	s10 =	rddreg [dreg:$0x6]  }
0x1f: {  	[spmem:s20], [sflag:s19] =	dma.local [hbm:s10], $0x2800  }
0x20: {  	_ =	swait.ge [sflag:s25], $0x2800  }
0x21: {  	[sflag:s25] =	ssyncset.done $0x0  }
0x22: {  	s20 =	rddreg [dreg:$0x7];
	[sflag:s25] =	ssyncadd.s32 $0xFFFFD800  }
0x23: {  	[spmem:s26], [sflag:s19] =	dma.local [hbm:s20], $0x50  }
0x24: {  	_ =	swait.ge [sflag:s25], $0x50  }
0x25: {  	[sflag:s25] =	ssyncset.done $0x0  }
0x26: {  	s19 =	simm.s32 $0x100;
	s26 =	rddreg [dreg:$0x9];
	[sflag:s25] =	ssyncadd.s32 $0xFFFFFFB0  }
0x27: {  	[tilespmem:s19], [sflag:$0x7] =	stream.linear.gather [hbm4b:s26+s7], $0x2780, $0x38;
	[tilespmem:$0x1EC00] =	vst v63  }
0x28: {  	_ =	swait.ge [sflag:s25], $0x2780  }
0x29: {  	[sflag:s25] =	ssyncset.done $0x0  }
0x2a: {  	[sflag:s25] =	ssyncadd.s32 $0xFFFFD880  }
0x2b: {  	[tilespmem:$0xA900] =	vst v0  }
0x2c: {  	[tilespmem:$0xA910] =	vst v0  }
0x2d: {  	[tilespmem:$0xA920] =	vst v0  }
0x2e: {  	[tilespmem:$0xA930] =	vst v0  }
0x2f: {  	[tilespmem:$0xA940] =	vst v0  }
0x30: {  	[tilespmem:$0xA950] =	vst v0  }
0x31: {  	[tilespmem:$0xA960] =	vst v0  }
0x32: {  	[tilespmem:$0xA970] =	vst v0  }
0x33: {  	[bflag:$0x0] =	sbarrier.arrive $0xFFFF  }
0x34: {  	s20 =	rddreg [dreg:$0xa]  }
0x35: {  	[tilespmem:s7], [sflag:$0x7] =	stream.linear.gather [hbm4b:s20+s7], $0x80, $0x38;
	[tilespmem:$0x1EC00] =	vst v63  }
0x36: {  	_ =	swait.ge [sflag:s25], $0x80  }
0x37: {  	[sflag:s25] =	ssyncset.done $0x0  }
0x38: {  	s26 =	rddreg [dreg:$0xb];
	[sflag:s25] =	ssyncadd.s32 $0xFFFFFF80  }
0x39: {  	[tilespmem:s22], [sflag:$0x3] =	stream.linear.gather [hbm4b:s26+s7], $0x80, $0x38;
	[tilespmem:$0x1EC00] =	vst v63  }
0x3a: {  	_ = 	snop  }
0x3b: {  	[tilespmem:s24], [sflag:$0x1] =	stream.indirect.gather [hbm4b:s0+s23], $0x80, s7, s23, $0xb8;
	[tilespmem:$0x1EC00] =	vst v63  }
0x3c: {  	s26 =	simm.s32 $0x3900  }
0x3d: {  	[tilespmem:s26], [sflag:$0x1] =	stream.indirect.gather [hbm4b:s0+s23], $0x80, s23, s23, $0xb8;
	[tilespmem:$0x1EC00] =	vst v63  }
0x3e: {  	s20 =	simm.s32 $0x40  }
0x3f: {  	[tilespmem:s28], [sflag:$0x1] =	stream.indirect.gather [hbm4b:s0+s23], $0x80, s20, s23, $0xb8;
	[tilespmem:$0x1EC00] =	vst v63  }
0x40: {  	_ = 	snop  }
0x41: {  	[tilespmem:s30], [sflag:$0x1] =	stream.indirect.gather [hbm4b:s0+s23], $0x80, s29, s23, $0xb8;
	[tilespmem:$0x1EC00] =	vst v63  }
0x42: {  	_ =	swait.ge [sflag:s31], $0x80  }
0x43: {  	[sflag:s31] =	ssyncset.done $0x0  }
0x44: {  	[sflag:s31] =	ssyncadd.s32 $0xFFFFFF80  }
0x45: {  	_ =	swait.ge [sflag:s3], $0x1000  }
0x46: {  	[sflag:s3] =	ssyncset.done $0x0  }
0x47: {  	[sflag:s3] =	ssyncadd.s32 $0xFFFFF000  }
0x48: {  	[tilespmem:s1], [sflag:$0x2] =	stream.indirect.gather [hbm4b:s0+s23], $0x80, s22, s23, $0xb8;
	[tilespmem:$0x1EC00] =	vst v63  }
0x49: {  	_ =	swait.ge [sflag:s3], $0x1000  }
0x4a: {  	[sflag:s3] =	ssyncset.done $0x0  }
0x4b: {  	[sflag:s3] =	ssyncadd.s32 $0xFFFFF000  }
0x4c: {  	[tilespmem:s9], [sflag:$0x2] =	stream.indirect.gather [hbm4b:s0+s23], $0x80, s8, s23, $0xb8;
	[tilespmem:$0x1EC00] =	vst v63  }
0x4d: {  	_ =	swait.ge [sflag:s3], $0x1000  }
0x4e: {  	[sflag:s3] =	ssyncset.done $0x0  }
0x4f: {  	[sflag:s3] =	ssyncadd.s32 $0xFFFFF000  }
0x50: {  	[tilespmem:s13], [sflag:$0x2] =	stream.indirect.gather [hbm4b:s0+s23], $0x80, s11, s23, $0xb8;
	[tilespmem:$0x1EC00] =	vst v63  }
0x51: {  	_ =	swait.ge [sflag:s3], $0x1000  }
0x52: {  	[sflag:s3] =	ssyncset.done $0x0  }
0x53: {  	[sflag:s3] =	ssyncadd.s32 $0xFFFFF000  }
0x54: {  	[tilespmem:s15], [sflag:$0x2] =	stream.indirect.gather [hbm4b:s0+s23], $0x80, s14, s23, $0xb8;
	[tilespmem:$0x1EC00] =	vst v63  }
0x55: {  	s25 =	rddreg [dreg:$0xc]  }
0x56: {  	[tilespmem:s7], [sflag:$0x3] =	stream.linear.gather [hbm4b:s25+s7], $0x80, $0x38;
	[tilespmem:$0x1EC00] =	vst v63  }
0x57: {  	_ = 	snop  }
0x58: {  	[spmem:s4] =	stream.indirect.scatter.add.f32 [tilespmem:s24], [sflag:$0x4], $0x80, s19, s22, $0xb8;
	[tilespmem:$0x1EC00] =	vst v63  }
0x59: {  	s10 =	simm.s32 $0x200;
	s20 =	simm.s32 $0x200  }
0x5a: {  	[spmem:s5] =	stream.indirect.scatter.add.f32 [tilespmem:s16], [sflag:$0x6], $0x1, s19, s22, $0xb8;
	[tilespmem:$0x1EC00] =	vst v63  }
.LBB2_2:
0x5b: {  	_ =	swait.ge [sflag:s17], $0x4000  }
0x5c: {  	[sflag:s17] =	ssyncset.done $0x0  }
0x5d: {  	[sflag:s17] =	ssyncadd.s32 $0xFFFFC000  }
0x5e: {  	_ =	swait.ge [sflag:s31], $0x80  }
0x5f: {  	[sflag:s31] =	ssyncset.done $0x0  }
0x60: {  	[sflag:s31] =	ssyncadd.s32 $0xFFFFFF80  }
0x61: {  	_ =	swait.ge [sflag:s12], $0x1000  }
0x62: {  	[sflag:s12] =	ssyncset.done $0x0  }
0x63: {  	[sflag:s12] =	ssyncadd.s32 $0xFFFFF000  }
0x64: {  	[tilespmem:s24], [sflag:$0x1] =	stream.indirect.gather [hbm4b:s0+s23], $0x80, s7, s23, $0xb8;
	[tilespmem:$0x1EC00] =	vst v63  }
0x65: {  	_ =	swait.ge [sflag:s12], $0x1000  }
0x66: {  	[sflag:s12] =	ssyncset.done $0x0  }
0x67: {  	[sflag:s12] =	ssyncadd.s32 $0xFFFFF000  }
0x68: {  	[tilespmem:s26], [sflag:$0x1] =	stream.indirect.gather [hbm4b:s0+s23], $0x80, s23, s23, $0xb8;
	[tilespmem:$0x1EC00] =	vst v63  }
0x69: {  	_ =	swait.ge [sflag:s12], $0x1000  }
0x6a: {  	[sflag:s12] =	ssyncset.done $0x0  }
0x6b: {  	s19 =	simm.s32 $0x40;
	p0 =	seq.s32 s20, $0x2800;
	[sflag:s12] =	ssyncadd.s32 $0xFFFFF000  }
0x6c: {  	[tilespmem:s28], [sflag:$0x1] =	stream.indirect.gather [hbm4b:s0+s23], $0x80, s19, s23, $0xb8;
	[tilespmem:$0x1EC00] =	vst v63  }
.Ltmp0:
0x6d: {  	_ = 	snop;
	(pc) =	sbr.rel @p0 .LBB2_4-.Ltmp0, $4  }
0x6e: {  	_ =	swait.ge [sflag:s12], $0x1000  }
0x6f: {  	[sflag:s12] =	ssyncset.done $0x0  }
0x70: {  	[sflag:s12] =	ssyncadd.s32 $0xFFFFF000  }
0x71: {  	[tilespmem:s30], [sflag:$0x1] =	stream.indirect.gather [hbm4b:s0+s23], $0x80, s29, s23, $0xb8;
	[tilespmem:$0x1EC00] =	vst v63  }
0x72: {  	s19 =	sadd.s32 $0xFFFFFF80, s20  }
0x73: {  	s25 =	sand.u32 $0x7C00, s19  }
0x74: {  	s19 =	sand.u32 $0x380, s19;
	s25 =	sadd.s32 s6, s25  }
0x75: {  	s19 =	sor.u32 s19, s25  }
0x76: {  	s19 =	sshrl.u32 s19, $0x3  }
0x77: {  	s19 =	sadd.s32 s2, s19  }
0x78: {  	[tilespmem:s22], [sflag:$0x3] =	stream.linear.gather [hbm4b:s19+s7], $0x80, $0x38;
	[tilespmem:$0x1EC00] =	vst v63  }
0x79: {  	s25 =	sadd.s32 $0xFFFFFF80, s10  }
0x7a: {  	[spmem:s4] =	stream.indirect.scatter.add.f32 [tilespmem:s1], [sflag:$0x5], $0x80, s25, s22, $0xb8;
	[tilespmem:$0x1EC00] =	vst v63  }
0x7b: {  	_ = 	snop  }
0x7c: {  	[spmem:s5] =	stream.indirect.scatter.add.f32 [tilespmem:s16], [sflag:$0x6], $0x1, s25, s22, $0xb8;
	[tilespmem:$0x1EC00] =	vst v63  }
0x7d: {  	_ =	swait.ge [sflag:s21], $0x4000  }
0x7e: {  	[sflag:s21] =	ssyncset.done $0x0  }
0x7f: {  	[sflag:s21] =	ssyncadd.s32 $0xFFFFC000  }
0x80: {  	_ =	swait.ge [sflag:s31], $0x80  }
0x81: {  	[sflag:s31] =	ssyncset.done $0x0  }
0x82: {  	[sflag:s31] =	ssyncadd.s32 $0xFFFFFF80  }
0x83: {  	_ =	swait.ge [sflag:s3], $0x1000  }
0x84: {  	[sflag:s3] =	ssyncset.done $0x0  }
0x85: {  	[sflag:s3] =	ssyncadd.s32 $0xFFFFF000  }
0x86: {  	[tilespmem:s1], [sflag:$0x2] =	stream.indirect.gather [hbm4b:s0+s23], $0x80, s22, s23, $0xb8;
	[tilespmem:$0x1EC00] =	vst v63  }
0x87: {  	_ =	swait.ge [sflag:s3], $0x1000  }
0x88: {  	[sflag:s3] =	ssyncset.done $0x0  }
0x89: {  	[sflag:s3] =	ssyncadd.s32 $0xFFFFF000  }
0x8a: {  	[tilespmem:s9], [sflag:$0x2] =	stream.indirect.gather [hbm4b:s0+s23], $0x80, s8, s23, $0xb8;
	[tilespmem:$0x1EC00] =	vst v63  }
0x8b: {  	_ =	swait.ge [sflag:s3], $0x1000  }
0x8c: {  	[sflag:s3] =	ssyncset.done $0x0  }
0x8d: {  	s25 =	sand.u32 $0x7C00, s20;
	[sflag:s3] =	ssyncadd.s32 $0xFFFFF000  }
0x8e: {  	[tilespmem:s13], [sflag:$0x2] =	stream.indirect.gather [hbm4b:s0+s23], $0x80, s11, s23, $0xb8;
	[tilespmem:$0x1EC00] =	vst v63  }
0x8f: {  	s19 =	sadd.s32 s6, s25;
	s25 =	sand.u32 $0x300, s20;
	_ =	swait.ge [sflag:s3], $0x1000  }
0x90: {  	s19 =	sor.u32 s25, s19;
	[sflag:s3] =	ssyncset.done $0x0  }
0x91: {  	s19 =	sshrl.u32 s19, $0x3;
	[sflag:s3] =	ssyncadd.s32 $0xFFFFF000  }
0x92: {  	[tilespmem:s15], [sflag:$0x2] =	stream.indirect.gather [hbm4b:s0+s23], $0x80, s14, s23, $0xb8;
	[tilespmem:$0x1EC00] =	vst v63  }
0x93: {  	s19 =	sadd.s32 s2, s19  }
0x94: {  	[tilespmem:s7], [sflag:$0x3] =	stream.linear.gather [hbm4b:s19+s7], $0x80, $0x38;
	[tilespmem:$0x1EC00] =	vst v63  }
.Ltmp1:
0x95: {  	_ = 	snop;
	(pc) =	sbr.rel .LBB2_2-.Ltmp1, $4  }
0x96: {  	[spmem:s4] =	stream.indirect.scatter.add.f32 [tilespmem:s24], [sflag:$0x4], $0x80, s10, s22, $0xb8;
	[tilespmem:$0x1EC00] =	vst v63  }
0x97: {  	_ = 	snop  }
0x98: {  	[spmem:s5] =	stream.indirect.scatter.add.f32 [tilespmem:s16], [sflag:$0x6], $0x1, s10, s22, $0xb8;
	[tilespmem:$0x1EC00] =	vst v63  }
0x99: {  	s20 =	sadd.s32 $0x100, s20;
	s10 =	sadd.s32 $0x100, s10  }
.LBB2_4:
0x9a: {  	s10 =	simm.s32 $0x2780  }
0x9b: {  	[spmem:s4] =	stream.indirect.scatter.add.f32 [tilespmem:s1], [sflag:$0x5], $0x80, s10, s22, $0xb8;
	[tilespmem:$0x1EC00] =	vst v63  }
0x9c: {  	_ = 	snop  }
0x9d: {  	[spmem:s5] =	stream.indirect.scatter.add.f32 [tilespmem:s16], [sflag:$0x6], $0x1, s10, s22, $0xb8;
	[tilespmem:$0x1EC00] =	vst v63  }
0x9e: {  	_ =	swait.ge [sflag:s3], $0x1000  }
0x9f: {  	[sflag:s3] =	ssyncset.done $0x0  }
0xa0: {  	[sflag:s3] =	ssyncadd.s32 $0xFFFFF000  }
0xa1: {  	_ =	swait.ge [sflag:s3], $0x1000  }
0xa2: {  	[sflag:s3] =	ssyncset.done $0x0  }
0xa3: {  	[sflag:s3] =	ssyncadd.s32 $0xFFFFF000  }
0xa4: {  	_ =	swait.ge [sflag:s3], $0x1000  }
0xa5: {  	[sflag:s3] =	ssyncset.done $0x0  }
0xa6: {  	[sflag:s3] =	ssyncadd.s32 $0xFFFFF000  }
0xa7: {  	_ =	swait.ge [sflag:s3], $0x1000  }
0xa8: {  	[sflag:s3] =	ssyncset.done $0x0  }
0xa9: {  	s26 =	simm.s32 $0x2800;
	[sflag:s3] =	ssyncadd.s32 $0xFFFFF000  }
0xaa: {  	[spmem:s4] =	stream.indirect.scatter.add.f32 [tilespmem:s24], [sflag:$0x4], $0x80, s26, s22, $0xb8;
	[tilespmem:$0x1EC00] =	vst v63  }
0xab: {  	_ = 	snop  }
0xac: {  	[spmem:s5] =	stream.indirect.scatter.add.f32 [tilespmem:s16], [sflag:$0x6], $0x1, s26, s22, $0xb8;
	[tilespmem:$0x1EC00] =	vst v63  }
0xad: {  	_ =	swait.ge [sflag:s17], $0x4000  }
0xae: {  	[sflag:s17] =	ssyncset.done $0x0  }
0xaf: {  	[sflag:s17] =	ssyncadd.s32 $0xFFFFC000  }
0xb0: {  	_ =	swait.ge [sflag:s21], $0x4000  }
0xb1: {  	[sflag:s21] =	ssyncset.done $0x0  }
0xb2: {  	[sflag:s21] =	ssyncadd.s32 $0xFFFFC000  }
0xb3: {  	_ =	swait.ge [sflag:s18], $0x80  }
0xb4: {  	s10 =	simm.s32 $0x4E;
	[sflag:s18] =	ssyncset.done $0x0  }
.LBB2_5:
0xb5: {  	p0 =	sne.s32 s10, $0x1;
	s10 =	sadd.s32 $0xFFFFFFFF, s10;
	[sflag:s18] =	ssyncadd.s32 $0xFFFFFF80  }
.Ltmp2:
0xb6: {  	(pc) =	sbr.rel @p0 .LBB2_5-.Ltmp2, $3  }
0xb7: {  	_ =	sdelay $0x1  }
0xb8: {  	_ =	swait.ge [sflag:s18], $0x80  }
0xb9: {  	[sflag:s18] =	ssyncset.done $0x0  }
0xba: {  	[sflag:s18] =	ssyncadd.s32 $0xFFFFFF80  }
0xbb: {  	[bflag:$0x0] =	sbarrier.arrive $0xFFFF  }
0xbc: {  	s19 =	rddreg [dreg:$0x8]  }
0xbd: {  	s10 =	rddreg [dreg:$0xd]  }
0xbe: {  	s25 =	simm.s32 $0x7;
	s20 =	rddreg [dreg:$0x10]  }
0xbf: {  	[hbm:s10], [sflag:s19] =	dma.local [spmem:s20], $0x2800  }
0xc0: {  	_ =	swait.ge [sflag:s25], $0x2800  }
0xc1: {  	[sflag:s25] =	ssyncset.done $0x0;
	s8 =	rddreg [dreg:$0xf]  }
0xc2: {  	s26 =	rddreg [dreg:$0x11];
	[sflag:s25] =	ssyncadd.s32 $0xFFFFD800  }
0xc3: {  	[hbm:s8], [sflag:s19] =	dma.local [spmem:s26], $0x50  }
0xc4: {  	_ =	swait.ge [sflag:s25], $0x50  }
0xc5: {  	s8 =	rddreg [dreg:$0x12]  }
0xc6: {  	[sflag:s25] =	ssyncset.done $0x0;
	s25 =	rddreg [dreg:$0xe];
	s8 =	sadd.s32 $0x1, s8  }
0xc7: {  	p0 =	sne.s32 s8, s25  }
.Ltmp3:
0xc8: {  	_ = 	snop;
	(pc) =	sbr.rel @p0 .LBB2_1-.Ltmp3, $3  }
0xc9: {  	_ =	sdelay $0x1  }
0xca: {  	s25 =	simm.s32 $0x7  }
0xcb: {  	[dreg:$0x12] =	wrdreg s8;
	s8 =	simm.s32 $0xA0;
	[sflag:s25] =	ssyncadd.s32 $0xFFFFFFB0  }
0xcc: {  	_ =	sfence.sel $0x180000  }
0xcd: {  	[bflag:$0x0] =	sbarrier.arrive $0xFFFF  }
0xce: {  	_ =	strace $0x90000047  }
0xcf: {  	s0 =	stileid.u32;
	[bflag:$0x2] =	sbarrier.arrive $0xFFFF  }
0xd0: {  	p0 =	sne.s32 s0, $0x0;
	s0 =	rddreg [dreg:$0x5]  }
0xd1: {  	s0 =	sadd.s32 @!p0 $0x100000, s0  }
0xd2: {  	[sflag:s0] =	ssyncadd.tile.s32 @!p0 $0x1;
	_ =	shalt  }
.Lfunc_end2:
_tile_overlayer_lowered:
.L_overlay_start_2:
0xd3: {  	(tag) =	ssettag $0x2  }
0xd4: {  	s0 =	rddreg [dreg:$0x0];
	s2 =	stileid.u32  }
0xd5: {  	s1 =	rddreg [dreg:$0x1];
	p0 =	sne.s32 s2, $0x0  }
0xd6: {  	s3 =	rddreg [dreg:$0x2];
	[bflag:$0x3] =	sbarrier.arrive $0xFFFF;
	s2 =	simm.s32 @!p0 $0x1C07  }
0xd7: {  	[timem:s3], [sflag:s2] =	dma.local @!p0 [hbm:s0], s1  }
0xd8: {  	s0 =	simm.s32 @!p0 $0x7  }
0xd9: {  	_ =	swait.ge @!p0 [sflag:s0], s1  }
0xda: {  	s1 =	ssub.s32 @!p0 $0x0, s1;
	[sflag:s0] =	ssyncset.done @!p0 $0x0  }
0xdb: {  	[sflag:s0] =	ssyncadd.s32 @!p0 s1  }
0xdc: {  	[bflag:$0x3] =	sbarrier.arrive $0xFFFF  }
0xdd: {  	_ =	shalt  }

</sc_bundles>
